<compile_context>
chip_gen: v7x
topology: tpu7x:2x2x1
jax: 0.10.2.dev20260603
libtpu: 0.0.44.dev20260713+nightly
codegen_flags: <defaults>
</compile_context>

<pallas_src>
import functools
import jax
import jax.numpy as jnp
from jax.experimental import pallas as pl
from jax.experimental.pallas import tpu as pltpu

N = 10000
E = 320000
HID = 128
EDIM = 128
TOWERS = 4
TIN = HID // TOWERS
L = 4
AVG_D_LOG = 3.4965

BE = 2000
NEB = E // BE
BN = 2000
NNB = N // BN


def _init_kernel(hb_ref, p_ref, deg_ref, emb_ref, wp_ref, bp_ref,
                 x_ref, inv_ref, amp_ref, att_ref, has_ref):
    hb = hb_ref[...]
    ids = jax.lax.broadcasted_iota(jnp.int32, hb.shape, 1)
    onehot = (hb.astype(jnp.int32) == ids).astype(jnp.float32)
    x = jnp.dot(onehot, emb_ref[...], preferred_element_type=jnp.float32)
    x = x + jnp.dot(p_ref[...], wp_ref[...], preferred_element_type=jnp.float32)
    x_ref[...] = x + bp_ref[...]

    deg = deg_ref[...]
    degc = jnp.maximum(deg, 1.0)
    log_deg = jnp.log(degc + 1.0)
    inv_ref[...] = 1.0 / degc
    amp_ref[...] = log_deg / AVG_D_LOG
    att_ref[...] = AVG_D_LOG / log_deg
    has_ref[...] = (deg > 0.0).astype(jnp.float32)


def _ab_kernel(x_ref, ws_ref, wd_ref, a_ref, b_ref):
    x = x_ref[...]
    a_ref[...] = jnp.dot(x, ws_ref[...], preferred_element_type=jnp.float32)
    b_ref[...] = jnp.dot(x, wd_ref[...], preferred_element_type=jnp.float32)


def _edge_kernel(src_ref, dst_ref, e_ref, a_ref, b_ref, we_ref,
                 s_ref, q_ref, mx_ref, mn_ref):
    pid = pl.program_id(0)

    @pl.when(pid == 0)
    def _():
        s_ref[...] = jnp.zeros(s_ref.shape, s_ref.dtype)
        q_ref[...] = jnp.zeros(q_ref.shape, q_ref.dtype)
        mx_ref[...] = jnp.zeros(mx_ref.shape, mx_ref.dtype)
        mn_ref[...] = jnp.full(mn_ref.shape, 3.0e38, mn_ref.dtype)

    def flush(d, srun, qrun, mxrun, mnrun):
        s_ref[pl.ds(d, 1), :] = s_ref[pl.ds(d, 1), :] + srun
        q_ref[pl.ds(d, 1), :] = q_ref[pl.ds(d, 1), :] + qrun
        mx_ref[pl.ds(d, 1), :] = jnp.maximum(mx_ref[pl.ds(d, 1), :], mxrun)
        mn_ref[pl.ds(d, 1), :] = jnp.minimum(mn_ref[pl.ds(d, 1), :], mnrun)

    def body(i, carry):
        prev, srun, qrun, mxrun, mnrun = carry
        s = src_ref[0, 0, i]
        d = dst_ref[0, 0, i]
        ee = e_ref[0, 0, i]
        same = d == prev

        @pl.when(jnp.logical_and(jnp.logical_not(same), prev >= 0))
        def _():
            flush(prev, srun, qrun, mxrun, mnrun)

        msg = a_ref[pl.ds(s, 1), :] + b_ref[pl.ds(d, 1), :] + we_ref[pl.ds(ee, 1), :]
        msg = jnp.maximum(msg, 0.0)
        msq = msg * msg
        srun = jnp.where(same, srun + msg, msg)
        qrun = jnp.where(same, qrun + msq, msq)
        mxrun = jnp.where(same, jnp.maximum(mxrun, msg), msg)
        mnrun = jnp.where(same, jnp.minimum(mnrun, msg), msg)
        return d, srun, qrun, mxrun, mnrun

    z = jnp.zeros((1, HID), jnp.float32)
    prev, srun, qrun, mxrun, mnrun = jax.lax.fori_loop(
        0, BE, body, (jnp.int32(-1), z, z, z, z))
    flush(prev, srun, qrun, mxrun, mnrun)


def _post_kernel(x_ref, s_ref, q_ref, mx_ref, mn_ref, inv_ref, amp_ref,
                 att_ref, has_ref, snorm_ref, bmats_ref, bpost_ref,
                 wmix_ref, bmix_ref, hpre_ref, psum_ref, psq_ref):
    pid = pl.program_id(0)
    x = x_ref[...]
    inv = inv_ref[...]
    amp = amp_ref[...]
    att = att_ref[...]
    has = has_ref[...]

    mean = s_ref[...] * inv
    sq = q_ref[...] * inv
    std = jnp.sqrt(jnp.maximum(sq - mean * mean, 0.0) + 1e-5)
    mx = mx_ref[...] * has
    mn = mn_ref[...] * has

    def mm(v, k):
        return jnp.dot(v, bmats_ref[k, :, :], preferred_element_type=jnp.float32)

    hcat = mm(x, 0) + bpost_ref[...]
    aggs = (mean, mx, mn, std)
    for i in range(4):
        a = aggs[i]
        k = 1 + 3 * i
        hcat = hcat + mm(a, k) + amp * mm(a, k + 1) + att * mm(a, k + 2)

    y = jnp.dot(hcat, wmix_ref[...], preferred_element_type=jnp.float32) + bmix_ref[...]
    hmix = jnp.where(y >= 0.0, y, 0.01 * y)
    hpre = hmix * snorm_ref[...]
    hpre_ref[...] = hpre

    @pl.when(pid == 0)
    def _():
        psum_ref[...] = jnp.zeros(psum_ref.shape, psum_ref.dtype)
        psq_ref[...] = jnp.zeros(psq_ref.shape, psq_ref.dtype)

    psum_ref[...] = psum_ref[...] + jnp.sum(hpre, axis=0, keepdims=True)
    psq_ref[...] = psq_ref[...] + jnp.sum(hpre * hpre, axis=0, keepdims=True)


def _bn_kernel(hpre_ref, x_ref, psum_ref, psq_ref, g_ref, bt_ref, o_ref):
    mu = psum_ref[...] / N
    var = psq_ref[...] / N - mu * mu
    hn = (hpre_ref[...] - mu) * jax.lax.rsqrt(var + 1e-5) * g_ref[...] + bt_ref[...]
    o_ref[...] = x_ref[...] + jnp.maximum(hn, 0.0)


def _readout_kernel(x_ref, w1_ref, b1_ref, w2_ref, b2_ref, w3_ref, b3_ref,
                    o_ref, acc_ref):
    pid = pl.program_id(0)

    @pl.when(pid == 0)
    def _():
        acc_ref[...] = jnp.zeros(acc_ref.shape, acc_ref.dtype)

    acc_ref[pl.ds(0, 1), :] = acc_ref[pl.ds(0, 1), :] + jnp.sum(
        x_ref[...], axis=0, keepdims=True)

    @pl.when(pid == NNB - 1)
    def _():
        hg = acc_ref[pl.ds(0, 1), :] / N
        r = jnp.maximum(jnp.dot(hg, w1_ref[...],
                                preferred_element_type=jnp.float32) + b1_ref[...], 0.0)
        r = jnp.maximum(jnp.dot(r, w2_ref[...],
                                preferred_element_type=jnp.float32) + b2_ref[...], 0.0)
        o_ref[...] = jnp.dot(r, w3_ref[...],
                             preferred_element_type=jnp.float32) + b3_ref[...]


def _full(shape):
    return pl.BlockSpec(shape, lambda i: (0,) * len(shape))


def _rows(shape):
    return pl.BlockSpec(shape, lambda i: (i,) + (0,) * (len(shape) - 1))


def _smem_chunk():
    return pl.BlockSpec((1, 1, BE), lambda i: (i, 0, 0), memory_space=pltpu.SMEM)


def kernel(edge_index, h, p, e, snorm_n, hodge_emb, emb_h, Wp, bp, emb_e,
           W_pre, b_pre, W_post, b_post, W_mix, b_mix, bn_gamma, bn_beta,
           W_r1, b_r1, W_r2, b_r2, W_r3, b_r3):
    del hodge_emb
    f32 = jnp.float32
    dst0 = edge_index[1].astype(jnp.int32)
    perm = jnp.argsort(dst0)
    dst_s = dst0[perm]
    src = edge_index[0].astype(jnp.int32)[perm].reshape(NEB, 1, BE)
    dst = dst_s.reshape(NEB, 1, BE)
    ee = e.astype(jnp.int32)[perm].reshape(NEB, 1, BE)
    row_start = jnp.searchsorted(dst_s, jnp.arange(N + 1, dtype=jnp.int32))
    deg_b = jnp.broadcast_to(
        (row_start[1:] - row_start[:N]).astype(f32)[:, None], (N, HID))

    def blockdiag(Wl):
        out = jnp.zeros((HID, HID), f32)
        for t in range(TOWERS):
            out = jax.lax.dynamic_update_slice(out, Wl[t], (t * TIN, t * TIN))
        return out

    hb = jnp.broadcast_to(h.astype(f32)[:, None], (N, 32))
    emb_pad = jnp.zeros((32, HID), f32).at[:28].set(emb_h)
    bp2 = bp.reshape(1, HID)
    snorm_b = jnp.broadcast_to(snorm_n, (N, HID))

    Wsrc, Wdst, Wet, Bm, bpost2, Wmix2, bmix2, g2, bt2 = [], [], [], [], [], [], [], [], []
    for l in range(L):
        Wsrc.append(blockdiag(W_pre[l, :, :TIN, :]))
        Wdst.append(blockdiag(W_pre[l, :, TIN:2 * TIN, :]))
        we = jnp.concatenate([emb_e @ W_pre[l, t, 2 * TIN:, :] + b_pre[l, t]
                              for t in range(TOWERS)], axis=1)
        Wet.append(jnp.zeros((8, HID), f32).at[:4].set(we))
        Bm.append(jnp.stack([blockdiag(W_post[l, :, k * TIN:(k + 1) * TIN, :])
                             for k in range(13)]))
        bpost2.append(b_post[l].reshape(1, HID))
        Wmix2.append(W_mix[l])
        bmix2.append(b_mix[l].reshape(1, HID))
        g2.append(bn_gamma[l].reshape(1, HID))
        bt2.append(bn_beta[l].reshape(1, HID))

    x, inv, amp, att, has = pl.pallas_call(
        _init_kernel,
        grid=(NNB,),
        in_specs=[_rows((BN, 32)), _rows((BN, 8)), _rows((BN, HID)),
                  _full((32, HID)), _full((8, HID)), _full((1, HID))],
        out_specs=[_rows((BN, HID))] * 5,
        out_shape=[jax.ShapeDtypeStruct((N, HID), f32)] * 5,
    )(hb, p, deg_b, emb_pad, Wp, bp2)

    for l in range(L):
        a, b = pl.pallas_call(
            _ab_kernel,
            grid=(NNB,),
            in_specs=[_rows((BN, HID)), _full((HID, HID)), _full((HID, HID))],
            out_specs=[_rows((BN, HID))] * 2,
            out_shape=[jax.ShapeDtypeStruct((N, HID), f32)] * 2,
        )(x, Wsrc[l], Wdst[l])

        S, Q, MX, MN = pl.pallas_call(
            _edge_kernel,
            grid=(NEB,),
            in_specs=[_smem_chunk(), _smem_chunk(), _smem_chunk(),
                      _full((N, HID)), _full((N, HID)), _full((8, HID))],
            out_specs=[_full((N, HID))] * 4,
            out_shape=[jax.ShapeDtypeStruct((N, HID), f32)] * 4,
        )(src, dst, ee, a, b, Wet[l])

        hpre, psum, psq = pl.pallas_call(
            _post_kernel,
            grid=(NNB,),
            in_specs=[_rows((BN, HID))] * 10 + [_full((13, HID, HID)),
                      _full((1, HID)), _full((HID, HID)), _full((1, HID))],
            out_specs=[_rows((BN, HID)), _full((1, HID)), _full((1, HID))],
            out_shape=[jax.ShapeDtypeStruct((N, HID), f32),
                       jax.ShapeDtypeStruct((1, HID), f32),
                       jax.ShapeDtypeStruct((1, HID), f32)],
        )(x, S, Q, MX, MN, inv, amp, att, has, snorm_b,
          Bm[l], bpost2[l], Wmix2[l], bmix2[l])

        x = pl.pallas_call(
            _bn_kernel,
            grid=(NNB,),
            in_specs=[_rows((BN, HID)), _rows((BN, HID)), _full((1, HID)),
                      _full((1, HID)), _full((1, HID)), _full((1, HID))],
            out_specs=_rows((BN, HID)),
            out_shape=jax.ShapeDtypeStruct((N, HID), f32),
        )(hpre, x, psum, psq, g2[l], bt2[l])

    out = pl.pallas_call(
        _readout_kernel,
        grid=(NNB,),
        in_specs=[_rows((BN, HID)), _full((HID, 64)), _full((1, 64)),
                  _full((64, 32)), _full((1, 32)), _full((32, 1)), _full((1, 1))],
        out_specs=_full((1, 1)),
        out_shape=jax.ShapeDtypeStruct((1, 1), f32),
        scratch_shapes=[pltpu.VMEM((8, HID), f32)],
    )(x, W_r1, b_r1.reshape(1, 64), W_r2, b_r2.reshape(1, 32),
      W_r3, b_r3.reshape(1, 1))
    return out.reshape(1)

# --- scband reference (transcript-rebuilt; emitter-appended) ---
"""Pipeline reference for scband-pnanet-16793322128010 (READ-ONLY COPY).

The authoritative reference and input builder live on the scoring server;
editing this copy changes nothing except your own understanding.
"""

import jax, jax.numpy as jnp
import numpy as np

N = 10000
E = 320000
HID = 128
EDIM = 128
TOWERS = 4
TIN = HID // TOWERS
L = 4
POS = 8
NUM_ATOM = 28
NUM_BOND = 4
AVG_D_LOG = 3.4965


def setup_inputs(seed: int = 0):
    key = jax.random.key(seed)
    ks = jax.random.split(key, 20)
    h = jax.random.randint(ks[0], (N,), 0, NUM_ATOM)
    p = jax.random.normal(ks[1], (N, POS), dtype=jnp.float32)
    e = jax.random.randint(ks[2], (E,), 0, NUM_BOND)
    snorm_n = jax.random.uniform(ks[3], (N, 1), dtype=jnp.float32)
    hodge_emb = jnp.zeros((0,), dtype=jnp.float32)
    edge_index = jax.random.randint(ks[4], (2, E), 0, N)
    emb_h = jax.random.normal(ks[5], (NUM_ATOM, HID), dtype=jnp.float32) * 0.02
    Wp = jax.random.normal(ks[6], (POS, HID), dtype=jnp.float32) * 0.1
    bp = jnp.zeros((HID,), dtype=jnp.float32)
    emb_e = jax.random.normal(ks[7], (NUM_BOND, EDIM), dtype=jnp.float32) * 0.02
    W_pre = jax.random.normal(ks[8], (L, TOWERS, 2 * TIN + EDIM, TIN), dtype=jnp.float32) * 0.05
    b_pre = jnp.zeros((L, TOWERS, TIN), dtype=jnp.float32)
    W_post = jax.random.normal(ks[9], (L, TOWERS, 13 * TIN, TIN), dtype=jnp.float32) * 0.05
    b_post = jnp.zeros((L, TOWERS, TIN), dtype=jnp.float32)
    W_mix = jax.random.normal(ks[10], (L, HID, HID), dtype=jnp.float32) * 0.05
    b_mix = jnp.zeros((L, HID), dtype=jnp.float32)
    bn_gamma = jnp.ones((L, HID), dtype=jnp.float32)
    bn_beta = jnp.zeros((L, HID), dtype=jnp.float32)
    W_r1 = jax.random.normal(ks[11], (HID, HID // 2), dtype=jnp.float32) * 0.05
    b_r1 = jnp.zeros((HID // 2,), dtype=jnp.float32)
    W_r2 = jax.random.normal(ks[12], (HID // 2, HID // 4), dtype=jnp.float32) * 0.05
    b_r2 = jnp.zeros((HID // 4,), dtype=jnp.float32)
    W_r3 = jax.random.normal(ks[13], (HID // 4, 1), dtype=jnp.float32) * 0.05
    b_r3 = jnp.zeros((1,), dtype=jnp.float32)
    return dict(edge_index=edge_index, h=h, p=p, e=e, snorm_n=snorm_n, hodge_emb=hodge_emb,
                emb_h=emb_h, Wp=Wp, bp=bp, emb_e=emb_e, W_pre=W_pre, b_pre=b_pre,
                W_post=W_post, b_post=b_post, W_mix=W_mix, b_mix=b_mix,
                bn_gamma=bn_gamma, bn_beta=bn_beta, W_r1=W_r1, b_r1=b_r1,
                W_r2=W_r2, b_r2=b_r2, W_r3=W_r3, b_r3=b_r3)


def _pna(h_idx, e_idx, edge_index, p, snorm_n, emb_h, Wp, bp, emb_e, W_pre, b_pre,
         W_post, b_post, W_mix, b_mix, bn_gamma, bn_beta, W_r1, b_r1, W_r2, b_r2, W_r3, b_r3):
    src = edge_index[0]
    dst = edge_index[1]
    # embedding_h (gather) + in_feat_dropout (p=0, identity)
    x = jnp.take(emb_h, h_idx, axis=0)
    # embedding_p + lap_pe (not lspe): h = h + p
    x = x + (p @ Wp + bp)
    # embedding_e (gather); use_hodge == 'none' so hodge branch skipped
    ef = jnp.take(emb_e, e_idx, axis=0)
    deg = jax.ops.segment_sum(jnp.ones((E,), jnp.float32), dst, num_segments=N)
    degc = jnp.maximum(deg, 1.0)
    log_deg = jnp.log(degc + 1.0)
    amp = (log_deg / AVG_D_LOG)[:, None]
    att = (AVG_D_LOG / log_deg)[:, None]
    has = (deg > 0)[:, None]
    for l in range(L):
        h_in = x
        touts = []
        for t in range(TOWERS):
            ht = x[:, t * TIN:(t + 1) * TIN]
            m_in = jnp.concatenate([ht[src], ht[dst], ef], axis=1)
            msg = jax.nn.relu(m_in @ W_pre[l, t] + b_pre[l, t])
            mean = jax.ops.segment_sum(msg, dst, num_segments=N) / degc[:, None]
            sq = jax.ops.segment_sum(msg * msg, dst, num_segments=N) / degc[:, None]
            std = jnp.sqrt(jax.nn.relu(sq - mean * mean) + 1e-5)
            mx = jnp.where(has, jax.ops.segment_max(msg, dst, num_segments=N), 0.0)
            mn = jnp.where(has, jax.ops.segment_min(msg, dst, num_segments=N), 0.0)
            feats = [ht]
            for a in (mean, mx, mn, std):
                feats.extend([a, a * amp, a * att])
            post_in = jnp.concatenate(feats, axis=1)
            touts.append(post_in @ W_post[l, t] + b_post[l, t])
        hcat = jnp.concatenate(touts, axis=1)
        hmix = jax.nn.leaky_relu(hcat @ W_mix[l] + b_mix[l])
        hn = hmix * snorm_n  # graph_norm
        mu = jnp.mean(hn, axis=0, keepdims=True)  # batch_norm (train-mode stats)
        var = jnp.var(hn, axis=0, keepdims=True)
        hn = (hn - mu) / jnp.sqrt(var + 1e-5) * bn_gamma[l] + bn_beta[l]
        hn = jax.nn.relu(hn)
        x = h_in + hn  # residual; dropout p=0
    hg = jnp.mean(x, axis=0)  # mean readout
    r = jax.nn.relu(hg @ W_r1 + b_r1)  # MLPReadout
    r = jax.nn.relu(r @ W_r2 + b_r2)
    out = r @ W_r3 + b_r3
    return out


def reference(edge_index, h, p, e, snorm_n, hodge_emb, emb_h, Wp, bp, emb_e, W_pre, b_pre,
              W_post, b_post, W_mix, b_mix, bn_gamma, bn_beta, W_r1, b_r1, W_r2, b_r2, W_r3, b_r3):
    del hodge_emb  # use_hodge == 'none': loop over empty hodge_emb is a no-op
    return _pna(h, e, edge_index, p, snorm_n, emb_h, Wp, bp, emb_e, W_pre, b_pre,
                W_post, b_post, W_mix, b_mix, bn_gamma, bn_beta,
                W_r1, b_r1, W_r2, b_r2, W_r3, b_r3)

if __name__ == "__main__":
    import jax
    _d = setup_inputs()
    print(jax.jit(kernel)(*tuple(_d.values())))

</pallas_src>

<mosaic_0001>
module attributes {stable_mosaic.version = 14 : i64} {
  func.func @_init_kernel(%arg0: i32, %arg1: memref<2000x32xf32, #tpu.memory_space<vmem>>, %arg2: memref<2000x8xf32, #tpu.memory_space<vmem>>, %arg3: memref<2000x128xf32, #tpu.memory_space<vmem>>, %arg4: memref<32x128xf32, #tpu.memory_space<vmem>>, %arg5: memref<8x128xf32, #tpu.memory_space<vmem>>, %arg6: memref<1x128xf32, #tpu.memory_space<vmem>>, %arg7: memref<2000x128xf32, #tpu.memory_space<vmem>>, %arg8: memref<2000x128xf32, #tpu.memory_space<vmem>>, %arg9: memref<2000x128xf32, #tpu.memory_space<vmem>>, %arg10: memref<2000x128xf32, #tpu.memory_space<vmem>>, %arg11: memref<2000x128xf32, #tpu.memory_space<vmem>>) attributes {dimension_semantics = [#tpu.dimension_semantics<arbitrary>], iteration_bounds = array<i64: 5>, scalar_prefetch = 0 : i64, scratch_operands = 0 : i64, tpu.core_type = #tpu.core_type<tc>, window_params = [{transform_indices = @transform_0, window_bounds = array<i64: 2000, 32>}, {transform_indices = @transform_1, window_bounds = array<i64: 2000, 8>}, {transform_indices = @transform_2, window_bounds = array<i64: 2000, 128>}, {pipeline_mode = #tpu.pipeline_mode<synchronous>, transform_indices = @transform_3, window_bounds = array<i64: 32, 128>}, {pipeline_mode = #tpu.pipeline_mode<synchronous>, transform_indices = @transform_4, window_bounds = array<i64: 8, 128>}, {pipeline_mode = #tpu.pipeline_mode<synchronous>, transform_indices = @transform_5, window_bounds = array<i64: 1, 128>}, {transform_indices = @transform_6, window_bounds = array<i64: 2000, 128>}, {transform_indices = @transform_7, window_bounds = array<i64: 2000, 128>}, {transform_indices = @transform_8, window_bounds = array<i64: 2000, 128>}, {transform_indices = @transform_9, window_bounds = array<i64: 2000, 128>}, {transform_indices = @transform_10, window_bounds = array<i64: 2000, 128>}]} {
    %get3A = arith.constant 0 : index
    %get3A_0 = arith.constant 0 : index
    %get3A_1 = vector.load %arg1[%get3A, %get3A_0] : memref<2000x32xf32, #tpu.memory_space<vmem>>, vector<2000x32xf32>
    %iota3A = tpu.iota {dimensions = array<i32: 1>} : vector<2000x32xi32>
    %convert_element_type3A = arith.fptosi %get3A_1 : vector<2000x32xf32> to vector<2000x32xi32>
    %eq3A = arith.cmpi eq, %convert_element_type3A, %iota3A : vector<2000x32xi32>
    %convert_element_type3A_2 = arith.extui %eq3A : vector<2000x32xi1> to vector<2000x32xi32>
    %convert_element_type3A_3 = arith.sitofp %convert_element_type3A_2 : vector<2000x32xi32> to vector<2000x32xf32>
    %get3A_4 = arith.constant 0 : index
    %get3A_5 = arith.constant 0 : index
    %get3A_6 = vector.load %arg4[%get3A_4, %get3A_5] : memref<32x128xf32, #tpu.memory_space<vmem>>, vector<32x128xf32>
    %dot_general3A = arith.constant dense<0.000000e+00> : vector<2000x128xf32>
    %dot_general3A_7 = tpu.matmul %convert_element_type3A_3, %get3A_6, %dot_general3A {dimension_numbers = #tpu.dot_dimension_numbers<[1], [0], [0], [1], [0, 0, 1, 1], [], []>, transpose_lhs_hint = false} : vector<2000x32xf32>, vector<32x128xf32>, vector<2000x128xf32> -> vector<2000x128xf32>
    %get3A_8 = arith.constant 0 : index
    %get3A_9 = arith.constant 0 : index
    %get3A_10 = vector.load %arg2[%get3A_8, %get3A_9] : memref<2000x8xf32, #tpu.memory_space<vmem>>, vector<2000x8xf32>
    %get3A_11 = arith.constant 0 : index
    %get3A_12 = arith.constant 0 : index
    %get3A_13 = vector.load %arg5[%get3A_11, %get3A_12] : memref<8x128xf32, #tpu.memory_space<vmem>>, vector<8x128xf32>
    %dot_general3A_14 = arith.constant dense<0.000000e+00> : vector<2000x128xf32>
    %dot_general3A_15 = tpu.matmul %get3A_10, %get3A_13, %dot_general3A_14 {dimension_numbers = #tpu.dot_dimension_numbers<[1], [0], [0], [1], [0, 0, 1, 1], [], []>, transpose_lhs_hint = false} : vector<2000x8xf32>, vector<8x128xf32>, vector<2000x128xf32> -> vector<2000x128xf32>
    %add3A = arith.addf %dot_general3A_7, %dot_general3A_15 : vector<2000x128xf32>
    %get3A_16 = arith.constant 0 : index
    %get3A_17 = arith.constant 0 : index
    %get3A_18 = vector.load %arg6[%get3A_16, %get3A_17] : memref<1x128xf32, #tpu.memory_space<vmem>>, vector<1x128xf32>
    %add3A_19 = vector.broadcast %get3A_18 : vector<1x128xf32> to vector<2000x128xf32>
    %add3A_20 = arith.addf %add3A, %add3A_19 : vector<2000x128xf32>
    %swap3A = arith.constant 0 : index
    %swap3A_21 = arith.constant 0 : index
    %swap3A_22 = vector.load %arg7[%swap3A, %swap3A_21] : memref<2000x128xf32, #tpu.memory_space<vmem>>, vector<2000x128xf32>
    tpu.vector_store %arg7[%swap3A, %swap3A_21], %add3A_20 {strides = array<i32>} : memref<2000x128xf32, #tpu.memory_space<vmem>>, vector<2000x128xf32>,
    %get3A_23 = arith.constant 0 : index
    %get3A_24 = arith.constant 0 : index
    %get3A_25 = vector.load %arg3[%get3A_23, %get3A_24] : memref<2000x128xf32, #tpu.memory_space<vmem>>, vector<2000x128xf32>
    %max3A = arith.constant 1.000000e+00 : f32
    %max3A_26 = vector.broadcast %max3A : f32 to vector<2000x128xf32>
    %max3A_27 = arith.maximumf %get3A_25, %max3A_26 : vector<2000x128xf32>
    %add3A_28 = arith.constant 1.000000e+00 : f32
    %add3A_29 = vector.broadcast %add3A_28 : f32 to vector<2000x128xf32>
    %add3A_30 = arith.addf %max3A_27, %add3A_29 : vector<2000x128xf32>
    %log3A = math.log %add3A_30 : vector<2000x128xf32>
    %div3A = arith.constant 1.000000e+00 : f32
    %div3A_31 = vector.broadcast %div3A : f32 to vector<2000x128xf32>
    %div3A_32 = arith.divf %div3A_31, %max3A_27 : vector<2000x128xf32>
    %swap3A_33 = arith.constant 0 : index
    %swap3A_34 = arith.constant 0 : index
    %swap3A_35 = vector.load %arg8[%swap3A_33, %swap3A_34] : memref<2000x128xf32, #tpu.memory_space<vmem>>, vector<2000x128xf32>
    tpu.vector_store %arg8[%swap3A_33, %swap3A_34], %div3A_32 {strides = array<i32>} : memref<2000x128xf32, #tpu.memory_space<vmem>>, vector<2000x128xf32>,
    %div3A_36 = arith.constant 3.496500e+00 : f32
    %div3A_37 = vector.broadcast %div3A_36 : f32 to vector<2000x128xf32>
    %div3A_38 = arith.divf %log3A, %div3A_37 : vector<2000x128xf32>
    %swap3A_39 = arith.constant 0 : index
    %swap3A_40 = arith.constant 0 : index
    %swap3A_41 = vector.load %arg9[%swap3A_39, %swap3A_40] : memref<2000x128xf32, #tpu.memory_space<vmem>>, vector<2000x128xf32>
    tpu.vector_store %arg9[%swap3A_39, %swap3A_40], %div3A_38 {strides = array<i32>} : memref<2000x128xf32, #tpu.memory_space<vmem>>, vector<2000x128xf32>,
    %div3A_42 = arith.constant 3.496500e+00 : f32
    %div3A_43 = vector.broadcast %div3A_42 : f32 to vector<2000x128xf32>
    %div3A_44 = arith.divf %div3A_43, %log3A : vector<2000x128xf32>
    %swap3A_45 = arith.constant 0 : index
    %swap3A_46 = arith.constant 0 : index
    %swap3A_47 = vector.load %arg10[%swap3A_45, %swap3A_46] : memref<2000x128xf32, #tpu.memory_space<vmem>>, vector<2000x128xf32>
    tpu.vector_store %arg10[%swap3A_45, %swap3A_46], %div3A_44 {strides = array<i32>} : memref<2000x128xf32, #tpu.memory_space<vmem>>, vector<2000x128xf32>,
    %gt3A = arith.constant 0.000000e+00 : f32
    %gt3A_48 = vector.broadcast %gt3A : f32 to vector<2000x128xf32>
    %gt3A_49 = arith.cmpf ogt, %get3A_25, %gt3A_48 : vector<2000x128xf32>
    %convert_element_type3A_50 = arith.extui %gt3A_49 : vector<2000x128xi1> to vector<2000x128xi32>
    %convert_element_type3A_51 = arith.sitofp %convert_element_type3A_50 : vector<2000x128xi32> to vector<2000x128xf32>
    %swap3A_52 = arith.constant 0 : index
    %swap3A_53 = arith.constant 0 : index
    %swap3A_54 = vector.load %arg11[%swap3A_52, %swap3A_53] : memref<2000x128xf32, #tpu.memory_space<vmem>>, vector<2000x128xf32>
    tpu.vector_store %arg11[%swap3A_52, %swap3A_53], %convert_element_type3A_51 {strides = array<i32>} : memref<2000x128xf32, #tpu.memory_space<vmem>>, vector<2000x128xf32>,
    return
  }
  func.func @transform_0(%arg0: i32) -> (i32, i32) {
    %c0_i32 = arith.constant 0 : i32
    %c0_i32_0 = arith.constant 0 : i32
    return %arg0, %c0_i32 : i32, i32
  }
  func.func @transform_1(%arg0: i32) -> (i32, i32) {
    %c0_i32 = arith.constant 0 : i32
    %c0_i32_0 = arith.constant 0 : i32
    return %arg0, %c0_i32 : i32, i32
  }
  func.func @transform_2(%arg0: i32) -> (i32, i32) {
    %c0_i32 = arith.constant 0 : i32
    %c0_i32_0 = arith.constant 0 : i32
    return %arg0, %c0_i32 : i32, i32
  }
  func.func @transform_3(%arg0: i32) -> (i32, i32) {
    %c0_i32 = arith.constant 0 : i32
    %c0_i32_0 = arith.constant 0 : i32
    %c0_i32_1 = arith.constant 0 : i32
    return %c0_i32, %c0_i32_0 : i32, i32
  }
  func.func @transform_4(%arg0: i32) -> (i32, i32) {
    %c0_i32 = arith.constant 0 : i32
    %c0_i32_0 = arith.constant 0 : i32
    %c0_i32_1 = arith.constant 0 : i32
    return %c0_i32, %c0_i32_0 : i32, i32
  }
  func.func @transform_5(%arg0: i32) -> (i32, i32) {
    %c0_i32 = arith.constant 0 : i32
    %c0_i32_0 = arith.constant 0 : i32
    %c0_i32_1 = arith.constant 0 : i32
    return %c0_i32, %c0_i32_0 : i32, i32
  }
  func.func @transform_6(%arg0: i32) -> (i32, i32) {
    %c0_i32 = arith.constant 0 : i32
    %c0_i32_0 = arith.constant 0 : i32
    return %arg0, %c0_i32 : i32, i32
  }
  func.func @transform_7(%arg0: i32) -> (i32, i32) {
    %c0_i32 = arith.constant 0 : i32
    %c0_i32_0 = arith.constant 0 : i32
    return %arg0, %c0_i32 : i32, i32
  }
  func.func @transform_8(%arg0: i32) -> (i32, i32) {
    %c0_i32 = arith.constant 0 : i32
    %c0_i32_0 = arith.constant 0 : i32
    return %arg0, %c0_i32 : i32, i32
  }
  func.func @transform_9(%arg0: i32) -> (i32, i32) {
    %c0_i32 = arith.constant 0 : i32
    %c0_i32_0 = arith.constant 0 : i32
    return %arg0, %c0_i32 : i32, i32
  }
  func.func @transform_10(%arg0: i32) -> (i32, i32) {
    %c0_i32 = arith.constant 0 : i32
    %c0_i32_0 = arith.constant 0 : i32
    return %arg0, %c0_i32 : i32, i32
  }
}

module attributes {stable_mosaic.version = 14 : i64} {
  func.func @_ab_kernel(%arg0: i32, %arg1: memref<2000x128xf32, #tpu.memory_space<vmem>>, %arg2: memref<128x128xf32, #tpu.memory_space<vmem>>, %arg3: memref<128x128xf32, #tpu.memory_space<vmem>>, %arg4: memref<2000x128xf32, #tpu.memory_space<vmem>>, %arg5: memref<2000x128xf32, #tpu.memory_space<vmem>>) attributes {dimension_semantics = [#tpu.dimension_semantics<arbitrary>], iteration_bounds = array<i64: 5>, scalar_prefetch = 0 : i64, scratch_operands = 0 : i64, tpu.core_type = #tpu.core_type<tc>, window_params = [{transform_indices = @transform_0, window_bounds = array<i64: 2000, 128>}, {pipeline_mode = #tpu.pipeline_mode<synchronous>, transform_indices = @transform_1, window_bounds = array<i64: 128, 128>}, {pipeline_mode = #tpu.pipeline_mode<synchronous>, transform_indices = @transform_2, window_bounds = array<i64: 128, 128>}, {transform_indices = @transform_3, window_bounds = array<i64: 2000, 128>}, {transform_indices = @transform_4, window_bounds = array<i64: 2000, 128>}]} {
    %get3A = arith.constant 0 : index
    %get3A_0 = arith.constant 0 : index
    %get3A_1 = vector.load %arg1[%get3A, %get3A_0] : memref<2000x128xf32, #tpu.memory_space<vmem>>, vector<2000x128xf32>
    %get3A_2 = arith.constant 0 : index
    %get3A_3 = arith.constant 0 : index
    %get3A_4 = vector.load %arg2[%get3A_2, %get3A_3] : memref<128x128xf32, #tpu.memory_space<vmem>>, vector<128x128xf32>
    %dot_general3A = arith.constant dense<0.000000e+00> : vector<2000x128xf32>
    %dot_general3A_5 = tpu.matmul %get3A_1, %get3A_4, %dot_general3A {dimension_numbers = #tpu.dot_dimension_numbers<[1], [0], [0], [1], [0, 0, 1, 1], [], []>, transpose_lhs_hint = false} : vector<2000x128xf32>, vector<128x128xf32>, vector<2000x128xf32> -> vector<2000x128xf32>
    %swap3A = arith.constant 0 : index
    %swap3A_6 = arith.constant 0 : index
    %swap3A_7 = vector.load %arg4[%swap3A, %swap3A_6] : memref<2000x128xf32, #tpu.memory_space<vmem>>, vector<2000x128xf32>
    tpu.vector_store %arg4[%swap3A, %swap3A_6], %dot_general3A_5 {strides = array<i32>} : memref<2000x128xf32, #tpu.memory_space<vmem>>, vector<2000x128xf32>,
    %get3A_8 = arith.constant 0 : index
    %get3A_9 = arith.constant 0 : index
    %get3A_10 = vector.load %arg3[%get3A_8, %get3A_9] : memref<128x128xf32, #tpu.memory_space<vmem>>, vector<128x128xf32>
    %dot_general3A_11 = arith.constant dense<0.000000e+00> : vector<2000x128xf32>
    %dot_general3A_12 = tpu.matmul %get3A_1, %get3A_10, %dot_general3A_11 {dimension_numbers = #tpu.dot_dimension_numbers<[1], [0], [0], [1], [0, 0, 1, 1], [], []>, transpose_lhs_hint = false} : vector<2000x128xf32>, vector<128x128xf32>, vector<2000x128xf32> -> vector<2000x128xf32>
    %swap3A_13 = arith.constant 0 : index
    %swap3A_14 = arith.constant 0 : index
    %swap3A_15 = vector.load %arg5[%swap3A_13, %swap3A_14] : memref<2000x128xf32, #tpu.memory_space<vmem>>, vector<2000x128xf32>
    tpu.vector_store %arg5[%swap3A_13, %swap3A_14], %dot_general3A_12 {strides = array<i32>} : memref<2000x128xf32, #tpu.memory_space<vmem>>, vector<2000x128xf32>,
    return
  }
  func.func @transform_0(%arg0: i32) -> (i32, i32) {
    %c0_i32 = arith.constant 0 : i32
    %c0_i32_0 = arith.constant 0 : i32
    return %arg0, %c0_i32 : i32, i32
  }
  func.func @transform_1(%arg0: i32) -> (i32, i32) {
    %c0_i32 = arith.constant 0 : i32
    %c0_i32_0 = arith.constant 0 : i32
    %c0_i32_1 = arith.constant 0 : i32
    return %c0_i32, %c0_i32_0 : i32, i32
  }
  func.func @transform_2(%arg0: i32) -> (i32, i32) {
    %c0_i32 = arith.constant 0 : i32
    %c0_i32_0 = arith.constant 0 : i32
    %c0_i32_1 = arith.constant 0 : i32
    return %c0_i32, %c0_i32_0 : i32, i32
  }
  func.func @transform_3(%arg0: i32) -> (i32, i32) {
    %c0_i32 = arith.constant 0 : i32
    %c0_i32_0 = arith.constant 0 : i32
    return %arg0, %c0_i32 : i32, i32
  }
  func.func @transform_4(%arg0: i32) -> (i32, i32) {
    %c0_i32 = arith.constant 0 : i32
    %c0_i32_0 = arith.constant 0 : i32
    return %arg0, %c0_i32 : i32, i32
  }
}

module attributes {stable_mosaic.version = 14 : i64} {
  func.func @_edge_kernel(%arg0: i32, %arg1: memref<1x1x2000xi32, #tpu.memory_space<smem>>, %arg2: memref<1x1x2000xi32, #tpu.memory_space<smem>>, %arg3: memref<1x1x2000xi32, #tpu.memory_space<smem>>, %arg4: memref<10000x128xf32, #tpu.memory_space<vmem>>, %arg5: memref<10000x128xf32, #tpu.memory_space<vmem>>, %arg6: memref<8x128xf32, #tpu.memory_space<vmem>>, %arg7: memref<10000x128xf32, #tpu.memory_space<vmem>>, %arg8: memref<10000x128xf32, #tpu.memory_space<vmem>>, %arg9: memref<10000x128xf32, #tpu.memory_space<vmem>>, %arg10: memref<10000x128xf32, #tpu.memory_space<vmem>>) attributes {dimension_semantics = [#tpu.dimension_semantics<arbitrary>], iteration_bounds = array<i64: 160>, scalar_prefetch = 0 : i64, scratch_operands = 0 : i64, tpu.core_type = #tpu.core_type<tc>, window_params = [{transform_indices = @transform_0, window_bounds = array<i64: 1, 1, 2000>}, {transform_indices = @transform_1, window_bounds = array<i64: 1, 1, 2000>}, {transform_indices = @transform_2, window_bounds = array<i64: 1, 1, 2000>}, {pipeline_mode = #tpu.pipeline_mode<synchronous>, transform_indices = @transform_3, window_bounds = array<i64: 10000, 128>}, {pipeline_mode = #tpu.pipeline_mode<synchronous>, transform_indices = @transform_4, window_bounds = array<i64: 10000, 128>}, {pipeline_mode = #tpu.pipeline_mode<synchronous>, transform_indices = @transform_5, window_bounds = array<i64: 8, 128>}, {pipeline_mode = #tpu.pipeline_mode<synchronous>, transform_indices = @transform_6, window_bounds = array<i64: 10000, 128>}, {pipeline_mode = #tpu.pipeline_mode<synchronous>, transform_indices = @transform_7, window_bounds = array<i64: 10000, 128>}, {pipeline_mode = #tpu.pipeline_mode<synchronous>, transform_indices = @transform_8, window_bounds = array<i64: 10000, 128>}, {pipeline_mode = #tpu.pipeline_mode<synchronous>, transform_indices = @transform_9, window_bounds = array<i64: 10000, 128>}]} {
    %eq3A = arith.constant 0 : i32
    %eq3A_0 = arith.cmpi eq, %arg0, %eq3A : i32
    %convert_element_type3A = arith.extui %eq3A_0 : i1 to i32
    %cond3A = arith.constant 0 : i32
    %cond3A_1 = arith.cmpi ne, %convert_element_type3A, %cond3A : i32
    scf.if %cond3A_1 {
      %broadcast_in_dim3A_32 = arith.constant 0.000000e+00 : f32
      %broadcast_in_dim3A_33 = vector.broadcast %broadcast_in_dim3A_32 : f32 to vector<10000x128xf32>
      %swap3A_34 = arith.constant 0 : index
      %swap3A_35 = arith.constant 0 : index
      %swap3A_36 = vector.load %arg7[%swap3A_34, %swap3A_35] : memref<10000x128xf32, #tpu.memory_space<vmem>>, vector<10000x128xf32>
      tpu.vector_store %arg7[%swap3A_34, %swap3A_35], %broadcast_in_dim3A_33 {strides = array<i32>} : memref<10000x128xf32, #tpu.memory_space<vmem>>, vector<10000x128xf32>,
      %broadcast_in_dim3A_37 = arith.constant 0.000000e+00 : f32
      %broadcast_in_dim3A_38 = vector.broadcast %broadcast_in_dim3A_37 : f32 to vector<10000x128xf32>
      %swap3A_39 = arith.constant 0 : index
      %swap3A_40 = arith.constant 0 : index
      %swap3A_41 = vector.load %arg8[%swap3A_39, %swap3A_40] : memref<10000x128xf32, #tpu.memory_space<vmem>>, vector<10000x128xf32>
      tpu.vector_store %arg8[%swap3A_39, %swap3A_40], %broadcast_in_dim3A_38 {strides = array<i32>} : memref<10000x128xf32, #tpu.memory_space<vmem>>, vector<10000x128xf32>,
      %broadcast_in_dim3A_42 = arith.constant 0.000000e+00 : f32
      %broadcast_in_dim3A_43 = vector.broadcast %broadcast_in_dim3A_42 : f32 to vector<10000x128xf32>
      %swap3A_44 = arith.constant 0 : index
      %swap3A_45 = arith.constant 0 : index
      %swap3A_46 = vector.load %arg9[%swap3A_44, %swap3A_45] : memref<10000x128xf32, #tpu.memory_space<vmem>>, vector<10000x128xf32>
      tpu.vector_store %arg9[%swap3A_44, %swap3A_45], %broadcast_in_dim3A_43 {strides = array<i32>} : memref<10000x128xf32, #tpu.memory_space<vmem>>, vector<10000x128xf32>,
      %broadcast_in_dim3A_47 = arith.constant 3.000000e+38 : f32
      %broadcast_in_dim3A_48 = vector.broadcast %broadcast_in_dim3A_47 : f32 to vector<10000x128xf32>
      %swap3A_49 = arith.constant 0 : index
      %swap3A_50 = arith.constant 0 : index
      %swap3A_51 = vector.load %arg10[%swap3A_49, %swap3A_50] : memref<10000x128xf32, #tpu.memory_space<vmem>>, vector<10000x128xf32>
      tpu.vector_store %arg10[%swap3A_49, %swap3A_50], %broadcast_in_dim3A_48 {strides = array<i32>} : memref<10000x128xf32, #tpu.memory_space<vmem>>, vector<10000x128xf32>,
    } else {
    }
    %broadcast_in_dim3A = arith.constant 0.000000e+00 : f32
    %broadcast_in_dim3A_2 = vector.broadcast %broadcast_in_dim3A : f32 to vector<1x128xf32>
    %scan3A = arith.constant -1 : i32
    %scan3A_3 = arith.constant 0 : i32
    %scan3A_4 = arith.constant 2000 : i32
    %scan3A_5 = arith.addi %scan3A_3, %scan3A_4 : i32
    %scan3A_6 = arith.constant 1 : i32
    %scan3A_7:5 = scf.for %scan3A_32 = %scan3A_3 to %scan3A_5 step %scan3A_6 iter_args(%scan3A_33 = %scan3A, %scan3A_34 = %broadcast_in_dim3A_2, %scan3A_35 = %broadcast_in_dim3A_2, %scan3A_36 = %broadcast_in_dim3A_2, %scan3A_37 = %broadcast_in_dim3A_2) -> (i32, vector<1x128xf32>, vector<1x128xf32>, vector<1x128xf32>, vector<1x128xf32>)  : i32 {
      %get3A_38 = arith.constant 0 : index
      %get3A_39 = arith.constant 0 : index
      %get3A_40 = arith.index_cast %scan3A_32 : i32 to index
      %get3A_41 = memref.load %arg1[%get3A_38, %get3A_39, %get3A_40] : memref<1x1x2000xi32, #tpu.memory_space<smem>>
      %get3A_42 = arith.constant 0 : index
      %get3A_43 = arith.constant 0 : index
      %get3A_44 = arith.index_cast %scan3A_32 : i32 to index
      %get3A_45 = memref.load %arg2[%get3A_42, %get3A_43, %get3A_44] : memref<1x1x2000xi32, #tpu.memory_space<smem>>
      %get3A_46 = arith.constant 0 : index
      %get3A_47 = arith.constant 0 : index
      %get3A_48 = arith.index_cast %scan3A_32 : i32 to index
      %get3A_49 = memref.load %arg3[%get3A_46, %get3A_47, %get3A_48] : memref<1x1x2000xi32, #tpu.memory_space<smem>>
      %eq3A_50 = arith.cmpi eq, %get3A_45, %scan3A_33 : i32
      %not3A = arith.constant true
      %not3A_51 = arith.xori %eq3A_50, %not3A : i1
      %ge3A = arith.constant 0 : i32
      %ge3A_52 = arith.cmpi sge, %scan3A_33, %ge3A : i32
      %and3A = arith.andi %not3A_51, %ge3A_52 : i1
      %convert_element_type3A_53 = arith.extui %and3A : i1 to i32
      %cond3A_54 = arith.constant 0 : i32
      %cond3A_55 = arith.cmpi ne, %convert_element_type3A_53, %cond3A_54 : i32
      scf.if %cond3A_55 {
        %get3A_77 = arith.index_cast %scan3A_33 : i32 to index
        %get3A_78 = arith.constant 0 : index
        %get3A_79 = vector.load %arg7[%get3A_77, %get3A_78] : memref<10000x128xf32, #tpu.memory_space<vmem>>, vector<1x128xf32>
        %add3A_80 = arith.addf %get3A_79, %scan3A_34 : vector<1x128xf32>
        %swap3A_81 = arith.index_cast %scan3A_33 : i32 to index
        %swap3A_82 = arith.constant 0 : index
        %swap3A_83 = vector.load %arg7[%swap3A_81, %swap3A_82] : memref<10000x128xf32, #tpu.memory_space<vmem>>, vector<1x128xf32>
        tpu.vector_store %arg7[%swap3A_81, %swap3A_82], %add3A_80 {strides = array<i32>} : memref<10000x128xf32, #tpu.memory_space<vmem>>, vector<1x128xf32>,
        %get3A_84 = arith.index_cast %scan3A_33 : i32 to index
        %get3A_85 = arith.constant 0 : index
        %get3A_86 = vector.load %arg8[%get3A_84, %get3A_85] : memref<10000x128xf32, #tpu.memory_space<vmem>>, vector<1x128xf32>
        %add3A_87 = arith.addf %get3A_86, %scan3A_35 : vector<1x128xf32>
        %swap3A_88 = arith.index_cast %scan3A_33 : i32 to index
        %swap3A_89 = arith.constant 0 : index
        %swap3A_90 = vector.load %arg8[%swap3A_88, %swap3A_89] : memref<10000x128xf32, #tpu.memory_space<vmem>>, vector<1x128xf32>
        tpu.vector_store %arg8[%swap3A_88, %swap3A_89], %add3A_87 {strides = array<i32>} : memref<10000x128xf32, #tpu.memory_space<vmem>>, vector<1x128xf32>,
        %get3A_91 = arith.index_cast %scan3A_33 : i32 to index
        %get3A_92 = arith.constant 0 : index
        %get3A_93 = vector.load %arg9[%get3A_91, %get3A_92] : memref<10000x128xf32, #tpu.memory_space<vmem>>, vector<1x128xf32>
        %max3A_94 = arith.maximumf %get3A_93, %scan3A_36 : vector<1x128xf32>
        %swap3A_95 = arith.index_cast %scan3A_33 : i32 to index
        %swap3A_96 = arith.constant 0 : index
        %swap3A_97 = vector.load %arg9[%swap3A_95, %swap3A_96] : memref<10000x128xf32, #tpu.memory_space<vmem>>, vector<1x128xf32>
        tpu.vector_store %arg9[%swap3A_95, %swap3A_96], %max3A_94 {strides = array<i32>} : memref<10000x128xf32, #tpu.memory_space<vmem>>, vector<1x128xf32>,
        %get3A_98 = arith.index_cast %scan3A_33 : i32 to index
        %get3A_99 = arith.constant 0 : index
        %get3A_100 = vector.load %arg10[%get3A_98, %get3A_99] : memref<10000x128xf32, #tpu.memory_space<vmem>>, vector<1x128xf32>
        %min3A_101 = arith.minimumf %get3A_100, %scan3A_37 : vector<1x128xf32>
        %swap3A_102 = arith.index_cast %scan3A_33 : i32 to index
        %swap3A_103 = arith.constant 0 : index
        %swap3A_104 = vector.load %arg10[%swap3A_102, %swap3A_103] : memref<10000x128xf32, #tpu.memory_space<vmem>>, vector<1x128xf32>
        tpu.vector_store %arg10[%swap3A_102, %swap3A_103], %min3A_101 {strides = array<i32>} : memref<10000x128xf32, #tpu.memory_space<vmem>>, vector<1x128xf32>,
      } else {
      }
      %get3A_56 = arith.index_cast %get3A_41 : i32 to index
      %get3A_57 = arith.constant 0 : index
      %get3A_58 = vector.load %arg4[%get3A_56, %get3A_57] : memref<10000x128xf32, #tpu.memory_space<vmem>>, vector<1x128xf32>
      %get3A_59 = arith.index_cast %get3A_45 : i32 to index
      %get3A_60 = arith.constant 0 : index
      %get3A_61 = vector.load %arg5[%get3A_59, %get3A_60] : memref<10000x128xf32, #tpu.memory_space<vmem>>, vector<1x128xf32>
      %add3A_62 = arith.addf %get3A_58, %get3A_61 : vector<1x128xf32>
      %get3A_63 = arith.index_cast %get3A_49 : i32 to index
      %get3A_64 = arith.constant 0 : index
      %get3A_65 = vector.load %arg6[%get3A_63, %get3A_64] : memref<8x128xf32, #tpu.memory_space<vmem>>, vector<1x128xf32>
      %add3A_66 = arith.addf %add3A_62, %get3A_65 : vector<1x128xf32>
      %max3A_67 = arith.constant 0.000000e+00 : f32
      %max3A_68 = vector.broadcast %max3A_67 : f32 to vector<1x128xf32>
      %max3A_69 = arith.maximumf %add3A_66, %max3A_68 : vector<1x128xf32>
      %mul3A = arith.mulf %max3A_69, %max3A_69 : vector<1x128xf32>
      %add3A_70 = arith.addf %scan3A_34, %max3A_69 : vector<1x128xf32>
      %select_n3A = arith.select %eq3A_50, %add3A_70, %max3A_69 : vector<1x128xf32>
      %add3A_71 = arith.addf %scan3A_35, %mul3A : vector<1x128xf32>
      %select_n3A_72 = arith.select %eq3A_50, %add3A_71, %mul3A : vector<1x128xf32>
      %max3A_73 = arith.maximumf %scan3A_36, %max3A_69 : vector<1x128xf32>
      %select_n3A_74 = arith.select %eq3A_50, %max3A_73, %max3A_69 : vector<1x128xf32>
      %min3A_75 = arith.minimumf %scan3A_37, %max3A_69 : vector<1x128xf32>
      %select_n3A_76 = arith.select %eq3A_50, %min3A_75, %max3A_69 : vector<1x128xf32>
      scf.yield %get3A_45, %select_n3A, %select_n3A_72, %select_n3A_74, %select_n3A_76 : i32, vector<1x128xf32>, vector<1x128xf32>, vector<1x128xf32>, vector<1x128xf32>
    }
    %scan3A_8 = arith.constant 2000 : i32
    %get3A = arith.index_cast %scan3A_7#0 : i32 to index
    %get3A_9 = arith.constant 0 : index
    %get3A_10 = vector.load %arg7[%get3A, %get3A_9] : memref<10000x128xf32, #tpu.memory_space<vmem>>, vector<1x128xf32>
    %add3A = arith.addf %get3A_10, %scan3A_7#1 : vector<1x128xf32>
    %swap3A = arith.index_cast %scan3A_7#0 : i32 to index
    %swap3A_11 = arith.constant 0 : index
    %swap3A_12 = vector.load %arg7[%swap3A, %swap3A_11] : memref<10000x128xf32, #tpu.memory_space<vmem>>, vector<1x128xf32>
    tpu.vector_store %arg7[%swap3A, %swap3A_11], %add3A {strides = array<i32>} : memref<10000x128xf32, #tpu.memory_space<vmem>>, vector<1x128xf32>,
    %get3A_13 = arith.index_cast %scan3A_7#0 : i32 to index
    %get3A_14 = arith.constant 0 : index
    %get3A_15 = vector.load %arg8[%get3A_13, %get3A_14] : memref<10000x128xf32, #tpu.memory_space<vmem>>, vector<1x128xf32>
    %add3A_16 = arith.addf %get3A_15, %scan3A_7#2 : vector<1x128xf32>
    %swap3A_17 = arith.index_cast %scan3A_7#0 : i32 to index
    %swap3A_18 = arith.constant 0 : index
    %swap3A_19 = vector.load %arg8[%swap3A_17, %swap3A_18] : memref<10000x128xf32, #tpu.memory_space<vmem>>, vector<1x128xf32>
    tpu.vector_store %arg8[%swap3A_17, %swap3A_18], %add3A_16 {strides = array<i32>} : memref<10000x128xf32, #tpu.memory_space<vmem>>, vector<1x128xf32>,
    %get3A_20 = arith.index_cast %scan3A_7#0 : i32 to index
    %get3A_21 = arith.constant 0 : index
    %get3A_22 = vector.load %arg9[%get3A_20, %get3A_21] : memref<10000x128xf32, #tpu.memory_space<vmem>>, vector<1x128xf32>
    %max3A = arith.maximumf %get3A_22, %scan3A_7#3 : vector<1x128xf32>
    %swap3A_23 = arith.index_cast %scan3A_7#0 : i32 to index
    %swap3A_24 = arith.constant 0 : index
    %swap3A_25 = vector.load %arg9[%swap3A_23, %swap3A_24] : memref<10000x128xf32, #tpu.memory_space<vmem>>, vector<1x128xf32>
    tpu.vector_store %arg9[%swap3A_23, %swap3A_24], %max3A {strides = array<i32>} : memref<10000x128xf32, #tpu.memory_space<vmem>>, vector<1x128xf32>,
    %get3A_26 = arith.index_cast %scan3A_7#0 : i32 to index
    %get3A_27 = arith.constant 0 : index
    %get3A_28 = vector.load %arg10[%get3A_26, %get3A_27] : memref<10000x128xf32, #tpu.memory_space<vmem>>, vector<1x128xf32>
    %min3A = arith.minimumf %get3A_28, %scan3A_7#4 : vector<1x128xf32>
    %swap3A_29 = arith.index_cast %scan3A_7#0 : i32 to index
    %swap3A_30 = arith.constant 0 : index
    %swap3A_31 = vector.load %arg10[%swap3A_29, %swap3A_30] : memref<10000x128xf32, #tpu.memory_space<vmem>>, vector<1x128xf32>
    tpu.vector_store %arg10[%swap3A_29, %swap3A_30], %min3A {strides = array<i32>} : memref<10000x128xf32, #tpu.memory_space<vmem>>, vector<1x128xf32>,
    return
  }
  func.func @transform_0(%arg0: i32) -> (i32, i32, i32) {
    %c0_i32 = arith.constant 0 : i32
    %c0_i32_0 = arith.constant 0 : i32
    %c0_i32_1 = arith.constant 0 : i32
    return %arg0, %c0_i32, %c0_i32_0 : i32, i32, i32
  }
  func.func @transform_1(%arg0: i32) -> (i32, i32, i32) {
    %c0_i32 = arith.constant 0 : i32
    %c0_i32_0 = arith.constant 0 : i32
    %c0_i32_1 = arith.constant 0 : i32
    return %arg0, %c0_i32, %c0_i32_0 : i32, i32, i32
  }
  func.func @transform_2(%arg0: i32) -> (i32, i32, i32) {
    %c0_i32 = arith.constant 0 : i32
    %c0_i32_0 = arith.constant 0 : i32
    %c0_i32_1 = arith.constant 0 : i32
    return %arg0, %c0_i32, %c0_i32_0 : i32, i32, i32
  }
  func.func @transform_3(%arg0: i32) -> (i32, i32) {
    %c0_i32 = arith.constant 0 : i32
    %c0_i32_0 = arith.constant 0 : i32
    %c0_i32_1 = arith.constant 0 : i32
    return %c0_i32, %c0_i32_0 : i32, i32
  }
  func.func @transform_4(%arg0: i32) -> (i32, i32) {
    %c0_i32 = arith.constant 0 : i32
    %c0_i32_0 = arith.constant 0 : i32
    %c0_i32_1 = arith.constant 0 : i32
    return %c0_i32, %c0_i32_0 : i32, i32
  }
  func.func @transform_5(%arg0: i32) -> (i32, i32) {
    %c0_i32 = arith.constant 0 : i32
    %c0_i32_0 = arith.constant 0 : i32
    %c0_i32_1 = arith.constant 0 : i32
    return %c0_i32, %c0_i32_0 : i32, i32
  }
  func.func @transform_6(%arg0: i32) -> (i32, i32) {
    %c0_i32 = arith.constant 0 : i32
    %c0_i32_0 = arith.constant 0 : i32
    %c0_i32_1 = arith.constant 0 : i32
    return %c0_i32, %c0_i32_0 : i32, i32
  }
  func.func @transform_7(%arg0: i32) -> (i32, i32) {
    %c0_i32 = arith.constant 0 : i32
    %c0_i32_0 = arith.constant 0 : i32
    %c0_i32_1 = arith.constant 0 : i32
    return %c0_i32, %c0_i32_0 : i32, i32
  }
  func.func @transform_8(%arg0: i32) -> (i32, i32) {
    %c0_i32 = arith.constant 0 : i32
    %c0_i32_0 = arith.constant 0 : i32
    %c0_i32_1 = arith.constant 0 : i32
    return %c0_i32, %c0_i32_0 : i32, i32
  }
  func.func @transform_9(%arg0: i32) -> (i32, i32) {
    %c0_i32 = arith.constant 0 : i32
    %c0_i32_0 = arith.constant 0 : i32
    %c0_i32_1 = arith.constant 0 : i32
    return %c0_i32, %c0_i32_0 : i32, i32
  }
}

module attributes {stable_mosaic.version = 14 : i64} {
  func.func @_post_kernel(%arg0: i32, %arg1: memref<2000x128xf32, #tpu.memory_space<vmem>>, %arg2: memref<2000x128xf32, #tpu.memory_space<vmem>>, %arg3: memref<2000x128xf32, #tpu.memory_space<vmem>>, %arg4: memref<2000x128xf32, #tpu.memory_space<vmem>>, %arg5: memref<2000x128xf32, #tpu.memory_space<vmem>>, %arg6: memref<2000x128xf32, #tpu.memory_space<vmem>>, %arg7: memref<2000x128xf32, #tpu.memory_space<vmem>>, %arg8: memref<2000x128xf32, #tpu.memory_space<vmem>>, %arg9: memref<2000x128xf32, #tpu.memory_space<vmem>>, %arg10: memref<2000x128xf32, #tpu.memory_space<vmem>>, %arg11: memref<13x128x128xf32, #tpu.memory_space<vmem>>, %arg12: memref<1x128xf32, #tpu.memory_space<vmem>>, %arg13: memref<128x128xf32, #tpu.memory_space<vmem>>, %arg14: memref<1x128xf32, #tpu.memory_space<vmem>>, %arg15: memref<2000x128xf32, #tpu.memory_space<vmem>>, %arg16: memref<1x128xf32, #tpu.memory_space<vmem>>, %arg17: memref<1x128xf32, #tpu.memory_space<vmem>>) attributes {dimension_semantics = [#tpu.dimension_semantics<arbitrary>], iteration_bounds = array<i64: 5>, scalar_prefetch = 0 : i64, scratch_operands = 0 : i64, tpu.core_type = #tpu.core_type<tc>, window_params = [{transform_indices = @transform_0, window_bounds = array<i64: 2000, 128>}, {transform_indices = @transform_1, window_bounds = array<i64: 2000, 128>}, {transform_indices = @transform_2, window_bounds = array<i64: 2000, 128>}, {transform_indices = @transform_3, window_bounds = array<i64: 2000, 128>}, {transform_indices = @transform_4, window_bounds = array<i64: 2000, 128>}, {transform_indices = @transform_5, window_bounds = array<i64: 2000, 128>}, {transform_indices = @transform_6, window_bounds = array<i64: 2000, 128>}, {transform_indices = @transform_7, window_bounds = array<i64: 2000, 128>}, {transform_indices = @transform_8, window_bounds = array<i64: 2000, 128>}, {transform_indices = @transform_9, window_bounds = array<i64: 2000, 128>}, {pipeline_mode = #tpu.pipeline_mode<synchronous>, transform_indices = @transform_10, window_bounds = array<i64: 13, 128, 128>}, {pipeline_mode = #tpu.pipeline_mode<synchronous>, transform_indices = @transform_11, window_bounds = array<i64: 1, 128>}, {pipeline_mode = #tpu.pipeline_mode<synchronous>, transform_indices = @transform_12, window_bounds = array<i64: 128, 128>}, {pipeline_mode = #tpu.pipeline_mode<synchronous>, transform_indices = @transform_13, window_bounds = array<i64: 1, 128>}, {transform_indices = @transform_14, window_bounds = array<i64: 2000, 128>}, {pipeline_mode = #tpu.pipeline_mode<synchronous>, transform_indices = @transform_15, window_bounds = array<i64: 1, 128>}, {pipeline_mode = #tpu.pipeline_mode<synchronous>, transform_indices = @transform_16, window_bounds = array<i64: 1, 128>}]} {
    %get3A = arith.constant 0 : index
    %get3A_0 = arith.constant 0 : index
    %get3A_1 = vector.load %arg1[%get3A, %get3A_0] : memref<2000x128xf32, #tpu.memory_space<vmem>>, vector<2000x128xf32>
    %get3A_2 = arith.constant 0 : index
    %get3A_3 = arith.constant 0 : index
    %get3A_4 = vector.load %arg6[%get3A_2, %get3A_3] : memref<2000x128xf32, #tpu.memory_space<vmem>>, vector<2000x128xf32>
    %get3A_5 = arith.constant 0 : index
    %get3A_6 = arith.constant 0 : index
    %get3A_7 = vector.load %arg7[%get3A_5, %get3A_6] : memref<2000x128xf32, #tpu.memory_space<vmem>>, vector<2000x128xf32>
    %get3A_8 = arith.constant 0 : index
    %get3A_9 = arith.constant 0 : index
    %get3A_10 = vector.load %arg8[%get3A_8, %get3A_9] : memref<2000x128xf32, #tpu.memory_space<vmem>>, vector<2000x128xf32>
    %get3A_11 = arith.constant 0 : index
    %get3A_12 = arith.constant 0 : index
    %get3A_13 = vector.load %arg9[%get3A_11, %get3A_12] : memref<2000x128xf32, #tpu.memory_space<vmem>>, vector<2000x128xf32>
    %get3A_14 = arith.constant 0 : index
    %get3A_15 = arith.constant 0 : index
    %get3A_16 = vector.load %arg2[%get3A_14, %get3A_15] : memref<2000x128xf32, #tpu.memory_space<vmem>>, vector<2000x128xf32>
    %mul3A = arith.mulf %get3A_16, %get3A_4 : vector<2000x128xf32>
    %get3A_17 = arith.constant 0 : index
    %get3A_18 = arith.constant 0 : index
    %get3A_19 = vector.load %arg3[%get3A_17, %get3A_18] : memref<2000x128xf32, #tpu.memory_space<vmem>>, vector<2000x128xf32>
    %mul3A_20 = arith.mulf %get3A_19, %get3A_4 : vector<2000x128xf32>
    %mul3A_21 = arith.mulf %mul3A, %mul3A : vector<2000x128xf32>
    %sub3A = arith.subf %mul3A_20, %mul3A_21 : vector<2000x128xf32>
    %max3A = arith.constant 0.000000e+00 : f32
    %max3A_22 = vector.broadcast %max3A : f32 to vector<2000x128xf32>
    %max3A_23 = arith.maximumf %sub3A, %max3A_22 : vector<2000x128xf32>
    %add3A = arith.constant 9.99999974E-6 : f32
    %add3A_24 = vector.broadcast %add3A : f32 to vector<2000x128xf32>
    %add3A_25 = arith.addf %max3A_23, %add3A_24 : vector<2000x128xf32>
    %sqrt3A = math.sqrt %add3A_25 : vector<2000x128xf32>
    %get3A_26 = arith.constant 0 : index
    %get3A_27 = arith.constant 0 : index
    %get3A_28 = vector.load %arg4[%get3A_26, %get3A_27] : memref<2000x128xf32, #tpu.memory_space<vmem>>, vector<2000x128xf32>
    %mul3A_29 = arith.mulf %get3A_28, %get3A_13 : vector<2000x128xf32>
    %get3A_30 = arith.constant 0 : index
    %get3A_31 = arith.constant 0 : index
    %get3A_32 = vector.load %arg5[%get3A_30, %get3A_31] : memref<2000x128xf32, #tpu.memory_space<vmem>>, vector<2000x128xf32>
    %mul3A_33 = arith.mulf %get3A_32, %get3A_13 : vector<2000x128xf32>
    %get3A_34 = arith.constant 0 : index
    %get3A_35 = arith.constant 0 : index
    %get3A_36 = arith.constant 0 : index
    %get3A_37 = vector.load %arg11[%get3A_34, %get3A_35, %get3A_36] : memref<13x128x128xf32, #tpu.memory_space<vmem>>, vector<1x128x128xf32>
    %get3A_38 = vector.shape_cast %get3A_37 : vector<1x128x128xf32> to vector<128x128xf32>
    %dot_general3A = arith.constant dense<0.000000e+00> : vector<2000x128xf32>
    %dot_general3A_39 = tpu.matmul %get3A_1, %get3A_38, %dot_general3A {dimension_numbers = #tpu.dot_dimension_numbers<[1], [0], [0], [1], [0, 0, 1, 1], [], []>, transpose_lhs_hint = false} : vector<2000x128xf32>, vector<128x128xf32>, vector<2000x128xf32> -> vector<2000x128xf32>
    %get3A_40 = arith.constant 0 : index
    %get3A_41 = arith.constant 0 : index
    %get3A_42 = vector.load %arg12[%get3A_40, %get3A_41] : memref<1x128xf32, #tpu.memory_space<vmem>>, vector<1x128xf32>
    %add3A_43 = vector.broadcast %get3A_42 : vector<1x128xf32> to vector<2000x128xf32>
    %add3A_44 = arith.addf %dot_general3A_39, %add3A_43 : vector<2000x128xf32>
    %get3A_45 = arith.constant 1 : index
    %get3A_46 = arith.constant 0 : index
    %get3A_47 = arith.constant 0 : index
    %get3A_48 = vector.load %arg11[%get3A_45, %get3A_46, %get3A_47] : memref<13x128x128xf32, #tpu.memory_space<vmem>>, vector<1x128x128xf32>
    %get3A_49 = vector.shape_cast %get3A_48 : vector<1x128x128xf32> to vector<128x128xf32>
    %dot_general3A_50 = arith.constant dense<0.000000e+00> : vector<2000x128xf32>
    %dot_general3A_51 = tpu.matmul %mul3A, %get3A_49, %dot_general3A_50 {dimension_numbers = #tpu.dot_dimension_numbers<[1], [0], [0], [1], [0, 0, 1, 1], [], []>, transpose_lhs_hint = false} : vector<2000x128xf32>, vector<128x128xf32>, vector<2000x128xf32> -> vector<2000x128xf32>
    %add3A_52 = arith.addf %add3A_44, %dot_general3A_51 : vector<2000x128xf32>
    %get3A_53 = arith.constant 2 : index
    %get3A_54 = arith.constant 0 : index
    %get3A_55 = arith.constant 0 : index
    %get3A_56 = vector.load %arg11[%get3A_53, %get3A_54, %get3A_55] : memref<13x128x128xf32, #tpu.memory_space<vmem>>, vector<1x128x128xf32>
    %get3A_57 = vector.shape_cast %get3A_56 : vector<1x128x128xf32> to vector<128x128xf32>
    %dot_general3A_58 = arith.constant dense<0.000000e+00> : vector<2000x128xf32>
    %dot_general3A_59 = tpu.matmul %mul3A, %get3A_57, %dot_general3A_58 {dimension_numbers = #tpu.dot_dimension_numbers<[1], [0], [0], [1], [0, 0, 1, 1], [], []>, transpose_lhs_hint = false} : vector<2000x128xf32>, vector<128x128xf32>, vector<2000x128xf32> -> vector<2000x128xf32>
    %mul3A_60 = arith.mulf %get3A_7, %dot_general3A_59 : vector<2000x128xf32>
    %add3A_61 = arith.addf %add3A_52, %mul3A_60 : vector<2000x128xf32>
    %get3A_62 = arith.constant 3 : index
    %get3A_63 = arith.constant 0 : index
    %get3A_64 = arith.constant 0 : index
    %get3A_65 = vector.load %arg11[%get3A_62, %get3A_63, %get3A_64] : memref<13x128x128xf32, #tpu.memory_space<vmem>>, vector<1x128x128xf32>
    %get3A_66 = vector.shape_cast %get3A_65 : vector<1x128x128xf32> to vector<128x128xf32>
    %dot_general3A_67 = arith.constant dense<0.000000e+00> : vector<2000x128xf32>
    %dot_general3A_68 = tpu.matmul %mul3A, %get3A_66, %dot_general3A_67 {dimension_numbers = #tpu.dot_dimension_numbers<[1], [0], [0], [1], [0, 0, 1, 1], [], []>, transpose_lhs_hint = false} : vector<2000x128xf32>, vector<128x128xf32>, vector<2000x128xf32> -> vector<2000x128xf32>
    %mul3A_69 = arith.mulf %get3A_10, %dot_general3A_68 : vector<2000x128xf32>
    %add3A_70 = arith.addf %add3A_61, %mul3A_69 : vector<2000x128xf32>
    %get3A_71 = arith.constant 4 : index
    %get3A_72 = arith.constant 0 : index
    %get3A_73 = arith.constant 0 : index
    %get3A_74 = vector.load %arg11[%get3A_71, %get3A_72, %get3A_73] : memref<13x128x128xf32, #tpu.memory_space<vmem>>, vector<1x128x128xf32>
    %get3A_75 = vector.shape_cast %get3A_74 : vector<1x128x128xf32> to vector<128x128xf32>
    %dot_general3A_76 = arith.constant dense<0.000000e+00> : vector<2000x128xf32>
    %dot_general3A_77 = tpu.matmul %mul3A_29, %get3A_75, %dot_general3A_76 {dimension_numbers = #tpu.dot_dimension_numbers<[1], [0], [0], [1], [0, 0, 1, 1], [], []>, transpose_lhs_hint = false} : vector<2000x128xf32>, vector<128x128xf32>, vector<2000x128xf32> -> vector<2000x128xf32>
    %add3A_78 = arith.addf %add3A_70, %dot_general3A_77 : vector<2000x128xf32>
    %get3A_79 = arith.constant 5 : index
    %get3A_80 = arith.constant 0 : index
    %get3A_81 = arith.constant 0 : index
    %get3A_82 = vector.load %arg11[%get3A_79, %get3A_80, %get3A_81] : memref<13x128x128xf32, #tpu.memory_space<vmem>>, vector<1x128x128xf32>
    %get3A_83 = vector.shape_cast %get3A_82 : vector<1x128x128xf32> to vector<128x128xf32>
    %dot_general3A_84 = arith.constant dense<0.000000e+00> : vector<2000x128xf32>
    %dot_general3A_85 = tpu.matmul %mul3A_29, %get3A_83, %dot_general3A_84 {dimension_numbers = #tpu.dot_dimension_numbers<[1], [0], [0], [1], [0, 0, 1, 1], [], []>, transpose_lhs_hint = false} : vector<2000x128xf32>, vector<128x128xf32>, vector<2000x128xf32> -> vector<2000x128xf32>
    %mul3A_86 = arith.mulf %get3A_7, %dot_general3A_85 : vector<2000x128xf32>
    %add3A_87 = arith.addf %add3A_78, %mul3A_86 : vector<2000x128xf32>
    %get3A_88 = arith.constant 6 : index
    %get3A_89 = arith.constant 0 : index
    %get3A_90 = arith.constant 0 : index
    %get3A_91 = vector.load %arg11[%get3A_88, %get3A_89, %get3A_90] : memref<13x128x128xf32, #tpu.memory_space<vmem>>, vector<1x128x128xf32>
    %get3A_92 = vector.shape_cast %get3A_91 : vector<1x128x128xf32> to vector<128x128xf32>
    %dot_general3A_93 = arith.constant dense<0.000000e+00> : vector<2000x128xf32>
    %dot_general3A_94 = tpu.matmul %mul3A_29, %get3A_92, %dot_general3A_93 {dimension_numbers = #tpu.dot_dimension_numbers<[1], [0], [0], [1], [0, 0, 1, 1], [], []>, transpose_lhs_hint = false} : vector<2000x128xf32>, vector<128x128xf32>, vector<2000x128xf32> -> vector<2000x128xf32>
    %mul3A_95 = arith.mulf %get3A_10, %dot_general3A_94 : vector<2000x128xf32>
    %add3A_96 = arith.addf %add3A_87, %mul3A_95 : vector<2000x128xf32>
    %get3A_97 = arith.constant 7 : index
    %get3A_98 = arith.constant 0 : index
    %get3A_99 = arith.constant 0 : index
    %get3A_100 = vector.load %arg11[%get3A_97, %get3A_98, %get3A_99] : memref<13x128x128xf32, #tpu.memory_space<vmem>>, vector<1x128x128xf32>
    %get3A_101 = vector.shape_cast %get3A_100 : vector<1x128x128xf32> to vector<128x128xf32>
    %dot_general3A_102 = arith.constant dense<0.000000e+00> : vector<2000x128xf32>
    %dot_general3A_103 = tpu.matmul %mul3A_33, %get3A_101, %dot_general3A_102 {dimension_numbers = #tpu.dot_dimension_numbers<[1], [0], [0], [1], [0, 0, 1, 1], [], []>, transpose_lhs_hint = false} : vector<2000x128xf32>, vector<128x128xf32>, vector<2000x128xf32> -> vector<2000x128xf32>
    %add3A_104 = arith.addf %add3A_96, %dot_general3A_103 : vector<2000x128xf32>
    %get3A_105 = arith.constant 8 : index
    %get3A_106 = arith.constant 0 : index
    %get3A_107 = arith.constant 0 : index
    %get3A_108 = vector.load %arg11[%get3A_105, %get3A_106, %get3A_107] : memref<13x128x128xf32, #tpu.memory_space<vmem>>, vector<1x128x128xf32>
    %get3A_109 = vector.shape_cast %get3A_108 : vector<1x128x128xf32> to vector<128x128xf32>
    %dot_general3A_110 = arith.constant dense<0.000000e+00> : vector<2000x128xf32>
    %dot_general3A_111 = tpu.matmul %mul3A_33, %get3A_109, %dot_general3A_110 {dimension_numbers = #tpu.dot_dimension_numbers<[1], [0], [0], [1], [0, 0, 1, 1], [], []>, transpose_lhs_hint = false} : vector<2000x128xf32>, vector<128x128xf32>, vector<2000x128xf32> -> vector<2000x128xf32>
    %mul3A_112 = arith.mulf %get3A_7, %dot_general3A_111 : vector<2000x128xf32>
    %add3A_113 = arith.addf %add3A_104, %mul3A_112 : vector<2000x128xf32>
    %get3A_114 = arith.constant 9 : index
    %get3A_115 = arith.constant 0 : index
    %get3A_116 = arith.constant 0 : index
    %get3A_117 = vector.load %arg11[%get3A_114, %get3A_115, %get3A_116] : memref<13x128x128xf32, #tpu.memory_space<vmem>>, vector<1x128x128xf32>
    %get3A_118 = vector.shape_cast %get3A_117 : vector<1x128x128xf32> to vector<128x128xf32>
    %dot_general3A_119 = arith.constant dense<0.000000e+00> : vector<2000x128xf32>
    %dot_general3A_120 = tpu.matmul %mul3A_33, %get3A_118, %dot_general3A_119 {dimension_numbers = #tpu.dot_dimension_numbers<[1], [0], [0], [1], [0, 0, 1, 1], [], []>, transpose_lhs_hint = false} : vector<2000x128xf32>, vector<128x128xf32>, vector<2000x128xf32> -> vector<2000x128xf32>
    %mul3A_121 = arith.mulf %get3A_10, %dot_general3A_120 : vector<2000x128xf32>
    %add3A_122 = arith.addf %add3A_113, %mul3A_121 : vector<2000x128xf32>
    %get3A_123 = arith.constant 10 : index
    %get3A_124 = arith.constant 0 : index
    %get3A_125 = arith.constant 0 : index
    %get3A_126 = vector.load %arg11[%get3A_123, %get3A_124, %get3A_125] : memref<13x128x128xf32, #tpu.memory_space<vmem>>, vector<1x128x128xf32>
    %get3A_127 = vector.shape_cast %get3A_126 : vector<1x128x128xf32> to vector<128x128xf32>
    %dot_general3A_128 = arith.constant dense<0.000000e+00> : vector<2000x128xf32>
    %dot_general3A_129 = tpu.matmul %sqrt3A, %get3A_127, %dot_general3A_128 {dimension_numbers = #tpu.dot_dimension_numbers<[1], [0], [0], [1], [0, 0, 1, 1], [], []>, transpose_lhs_hint = false} : vector<2000x128xf32>, vector<128x128xf32>, vector<2000x128xf32> -> vector<2000x128xf32>
    %add3A_130 = arith.addf %add3A_122, %dot_general3A_129 : vector<2000x128xf32>
    %get3A_131 = arith.constant 11 : index
    %get3A_132 = arith.constant 0 : index
    %get3A_133 = arith.constant 0 : index
    %get3A_134 = vector.load %arg11[%get3A_131, %get3A_132, %get3A_133] : memref<13x128x128xf32, #tpu.memory_space<vmem>>, vector<1x128x128xf32>
    %get3A_135 = vector.shape_cast %get3A_134 : vector<1x128x128xf32> to vector<128x128xf32>
    %dot_general3A_136 = arith.constant dense<0.000000e+00> : vector<2000x128xf32>
    %dot_general3A_137 = tpu.matmul %sqrt3A, %get3A_135, %dot_general3A_136 {dimension_numbers = #tpu.dot_dimension_numbers<[1], [0], [0], [1], [0, 0, 1, 1], [], []>, transpose_lhs_hint = false} : vector<2000x128xf32>, vector<128x128xf32>, vector<2000x128xf32> -> vector<2000x128xf32>
    %mul3A_138 = arith.mulf %get3A_7, %dot_general3A_137 : vector<2000x128xf32>
    %add3A_139 = arith.addf %add3A_130, %mul3A_138 : vector<2000x128xf32>
    %get3A_140 = arith.constant 12 : index
    %get3A_141 = arith.constant 0 : index
    %get3A_142 = arith.constant 0 : index
    %get3A_143 = vector.load %arg11[%get3A_140, %get3A_141, %get3A_142] : memref<13x128x128xf32, #tpu.memory_space<vmem>>, vector<1x128x128xf32>
    %get3A_144 = vector.shape_cast %get3A_143 : vector<1x128x128xf32> to vector<128x128xf32>
    %dot_general3A_145 = arith.constant dense<0.000000e+00> : vector<2000x128xf32>
    %dot_general3A_146 = tpu.matmul %sqrt3A, %get3A_144, %dot_general3A_145 {dimension_numbers = #tpu.dot_dimension_numbers<[1], [0], [0], [1], [0, 0, 1, 1], [], []>, transpose_lhs_hint = false} : vector<2000x128xf32>, vector<128x128xf32>, vector<2000x128xf32> -> vector<2000x128xf32>
    %mul3A_147 = arith.mulf %get3A_10, %dot_general3A_146 : vector<2000x128xf32>
    %add3A_148 = arith.addf %add3A_139, %mul3A_147 : vector<2000x128xf32>
    %get3A_149 = arith.constant 0 : index
    %get3A_150 = arith.constant 0 : index
    %get3A_151 = vector.load %arg13[%get3A_149, %get3A_150] : memref<128x128xf32, #tpu.memory_space<vmem>>, vector<128x128xf32>
    %dot_general3A_152 = arith.constant dense<0.000000e+00> : vector<2000x128xf32>
    %dot_general3A_153 = tpu.matmul %add3A_148, %get3A_151, %dot_general3A_152 {dimension_numbers = #tpu.dot_dimension_numbers<[1], [0], [0], [1], [0, 0, 1, 1], [], []>, transpose_lhs_hint = false} : vector<2000x128xf32>, vector<128x128xf32>, vector<2000x128xf32> -> vector<2000x128xf32>
    %get3A_154 = arith.constant 0 : index
    %get3A_155 = arith.constant 0 : index
    %get3A_156 = vector.load %arg14[%get3A_154, %get3A_155] : memref<1x128xf32, #tpu.memory_space<vmem>>, vector<1x128xf32>
    %add3A_157 = vector.broadcast %get3A_156 : vector<1x128xf32> to vector<2000x128xf32>
    %add3A_158 = arith.addf %dot_general3A_153, %add3A_157 : vector<2000x128xf32>
    %ge3A = arith.constant 0.000000e+00 : f32
    %ge3A_159 = vector.broadcast %ge3A : f32 to vector<2000x128xf32>
    %ge3A_160 = arith.cmpf oge, %add3A_158, %ge3A_159 : vector<2000x128xf32>
    %mul3A_161 = arith.constant 0.00999999977 : f32
    %mul3A_162 = vector.broadcast %mul3A_161 : f32 to vector<2000x128xf32>
    %mul3A_163 = arith.mulf %mul3A_162, %add3A_158 : vector<2000x128xf32>
    %select_n3A = arith.select %ge3A_160, %add3A_158, %mul3A_163 : vector<2000x128xi1>, vector<2000x128xf32>
    %get3A_164 = arith.constant 0 : index
    %get3A_165 = arith.constant 0 : index
    %get3A_166 = vector.load %arg10[%get3A_164, %get3A_165] : memref<2000x128xf32, #tpu.memory_space<vmem>>, vector<2000x128xf32>
    %mul3A_167 = arith.mulf %select_n3A, %get3A_166 : vector<2000x128xf32>
    %swap3A = arith.constant 0 : index
    %swap3A_168 = arith.constant 0 : index
    %swap3A_169 = vector.load %arg15[%swap3A, %swap3A_168] : memref<2000x128xf32, #tpu.memory_space<vmem>>, vector<2000x128xf32>
    tpu.vector_store %arg15[%swap3A, %swap3A_168], %mul3A_167 {strides = array<i32>} : memref<2000x128xf32, #tpu.memory_space<vmem>>, vector<2000x128xf32>,
    %eq3A = arith.constant 0 : i32
    %eq3A_170 = arith.cmpi eq, %arg0, %eq3A : i32
    %convert_element_type3A = arith.extui %eq3A_170 : i1 to i32
    %cond3A = arith.constant 0 : i32
    %cond3A_171 = arith.cmpi ne, %convert_element_type3A, %cond3A : i32
    scf.if %cond3A_171 {
      %broadcast_in_dim3A_191 = arith.constant 0.000000e+00 : f32
      %broadcast_in_dim3A_192 = vector.broadcast %broadcast_in_dim3A_191 : f32 to vector<1x128xf32>
      %swap3A_193 = arith.constant 0 : index
      %swap3A_194 = arith.constant 0 : index
      %swap3A_195 = vector.load %arg16[%swap3A_193, %swap3A_194] : memref<1x128xf32, #tpu.memory_space<vmem>>, vector<1x128xf32>
      tpu.vector_store %arg16[%swap3A_193, %swap3A_194], %broadcast_in_dim3A_192 {strides = array<i32>} : memref<1x128xf32, #tpu.memory_space<vmem>>, vector<1x128xf32>,
      %broadcast_in_dim3A_196 = arith.constant 0.000000e+00 : f32
      %broadcast_in_dim3A_197 = vector.broadcast %broadcast_in_dim3A_196 : f32 to vector<1x128xf32>
      %swap3A_198 = arith.constant 0 : index
      %swap3A_199 = arith.constant 0 : index
      %swap3A_200 = vector.load %arg17[%swap3A_198, %swap3A_199] : memref<1x128xf32, #tpu.memory_space<vmem>>, vector<1x128xf32>
      tpu.vector_store %arg17[%swap3A_198, %swap3A_199], %broadcast_in_dim3A_197 {strides = array<i32>} : memref<1x128xf32, #tpu.memory_space<vmem>>, vector<1x128xf32>,
    } else {
    }
    %get3A_172 = arith.constant 0 : index
    %get3A_173 = arith.constant 0 : index
    %get3A_174 = vector.load %arg16[%get3A_172, %get3A_173] : memref<1x128xf32, #tpu.memory_space<vmem>>, vector<1x128xf32>
    %reduce_sum3A = arith.constant dense<0.000000e+00> : vector<128xf32>
    %reduce_sum3A_175 = vector.multi_reduction <add>, %mul3A_167, %reduce_sum3A [0] : vector<2000x128xf32> to vector<128xf32>
    %broadcast_in_dim3A = vector.shape_cast %reduce_sum3A_175 : vector<128xf32> to vector<1x128xf32>
    %add3A_176 = arith.addf %get3A_174, %broadcast_in_dim3A : vector<1x128xf32>
    %swap3A_177 = arith.constant 0 : index
    %swap3A_178 = arith.constant 0 : index
    %swap3A_179 = vector.load %arg16[%swap3A_177, %swap3A_178] : memref<1x128xf32, #tpu.memory_space<vmem>>, vector<1x128xf32>
    tpu.vector_store %arg16[%swap3A_177, %swap3A_178], %add3A_176 {strides = array<i32>} : memref<1x128xf32, #tpu.memory_space<vmem>>, vector<1x128xf32>,
    %get3A_180 = arith.constant 0 : index
    %get3A_181 = arith.constant 0 : index
    %get3A_182 = vector.load %arg17[%get3A_180, %get3A_181] : memref<1x128xf32, #tpu.memory_space<vmem>>, vector<1x128xf32>
    %mul3A_183 = arith.mulf %mul3A_167, %mul3A_167 : vector<2000x128xf32>
    %reduce_sum3A_184 = arith.constant dense<0.000000e+00> : vector<128xf32>
    %reduce_sum3A_185 = vector.multi_reduction <add>, %mul3A_183, %reduce_sum3A_184 [0] : vector<2000x128xf32> to vector<128xf32>
    %broadcast_in_dim3A_186 = vector.shape_cast %reduce_sum3A_185 : vector<128xf32> to vector<1x128xf32>
    %add3A_187 = arith.addf %get3A_182, %broadcast_in_dim3A_186 : vector<1x128xf32>
    %swap3A_188 = arith.constant 0 : index
    %swap3A_189 = arith.constant 0 : index
    %swap3A_190 = vector.load %arg17[%swap3A_188, %swap3A_189] : memref<1x128xf32, #tpu.memory_space<vmem>>, vector<1x128xf32>
    tpu.vector_store %arg17[%swap3A_188, %swap3A_189], %add3A_187 {strides = array<i32>} : memref<1x128xf32, #tpu.memory_space<vmem>>, vector<1x128xf32>,
    return
  }
  func.func @transform_0(%arg0: i32) -> (i32, i32) {
    %c0_i32 = arith.constant 0 : i32
    %c0_i32_0 = arith.constant 0 : i32
    return %arg0, %c0_i32 : i32, i32
  }
  func.func @transform_1(%arg0: i32) -> (i32, i32) {
    %c0_i32 = arith.constant 0 : i32
    %c0_i32_0 = arith.constant 0 : i32
    return %arg0, %c0_i32 : i32, i32
  }
  func.func @transform_2(%arg0: i32) -> (i32, i32) {
    %c0_i32 = arith.constant 0 : i32
    %c0_i32_0 = arith.constant 0 : i32
    return %arg0, %c0_i32 : i32, i32
  }
  func.func @transform_3(%arg0: i32) -> (i32, i32) {
    %c0_i32 = arith.constant 0 : i32
    %c0_i32_0 = arith.constant 0 : i32
    return %arg0, %c0_i32 : i32, i32
  }
  func.func @transform_4(%arg0: i32) -> (i32, i32) {
    %c0_i32 = arith.constant 0 : i32
    %c0_i32_0 = arith.constant 0 : i32
    return %arg0, %c0_i32 : i32, i32
  }
  func.func @transform_5(%arg0: i32) -> (i32, i32) {
    %c0_i32 = arith.constant 0 : i32
    %c0_i32_0 = arith.constant 0 : i32
    return %arg0, %c0_i32 : i32, i32
  }
  func.func @transform_6(%arg0: i32) -> (i32, i32) {
    %c0_i32 = arith.constant 0 : i32
    %c0_i32_0 = arith.constant 0 : i32
    return %arg0, %c0_i32 : i32, i32
  }
  func.func @transform_7(%arg0: i32) -> (i32, i32) {
    %c0_i32 = arith.constant 0 : i32
    %c0_i32_0 = arith.constant 0 : i32
    return %arg0, %c0_i32 : i32, i32
  }
  func.func @transform_8(%arg0: i32) -> (i32, i32) {
    %c0_i32 = arith.constant 0 : i32
    %c0_i32_0 = arith.constant 0 : i32
    return %arg0, %c0_i32 : i32, i32
  }
  func.func @transform_9(%arg0: i32) -> (i32, i32) {
    %c0_i32 = arith.constant 0 : i32
    %c0_i32_0 = arith.constant 0 : i32
    return %arg0, %c0_i32 : i32, i32
  }
  func.func @transform_10(%arg0: i32) -> (i32, i32, i32) {
    %c0_i32 = arith.constant 0 : i32
    %c0_i32_0 = arith.constant 0 : i32
    %c0_i32_1 = arith.constant 0 : i32
    %c0_i32_2 = arith.constant 0 : i32
    return %c0_i32, %c0_i32_0, %c0_i32_1 : i32, i32, i32
  }
  func.func @transform_11(%arg0: i32) -> (i32, i32) {
    %c0_i32 = arith.constant 0 : i32
    %c0_i32_0 = arith.constant 0 : i32
    %c0_i32_1 = arith.constant 0 : i32
    return %c0_i32, %c0_i32_0 : i32, i32
  }
  func.func @transform_12(%arg0: i32) -> (i32, i32) {
    %c0_i32 = arith.constant 0 : i32
    %c0_i32_0 = arith.constant 0 : i32
    %c0_i32_1 = arith.constant 0 : i32
    return %c0_i32, %c0_i32_0 : i32, i32
  }
  func.func @transform_13(%arg0: i32) -> (i32, i32) {
    %c0_i32 = arith.constant 0 : i32
    %c0_i32_0 = arith.constant 0 : i32
    %c0_i32_1 = arith.constant 0 : i32
    return %c0_i32, %c0_i32_0 : i32, i32
  }
  func.func @transform_14(%arg0: i32) -> (i32, i32) {
    %c0_i32 = arith.constant 0 : i32
    %c0_i32_0 = arith.constant 0 : i32
    return %arg0, %c0_i32 : i32, i32
  }
  func.func @transform_15(%arg0: i32) -> (i32, i32) {
    %c0_i32 = arith.constant 0 : i32
    %c0_i32_0 = arith.constant 0 : i32
    %c0_i32_1 = arith.constant 0 : i32
    return %c0_i32, %c0_i32_0 : i32, i32
  }
  func.func @transform_16(%arg0: i32) -> (i32, i32) {
    %c0_i32 = arith.constant 0 : i32
    %c0_i32_0 = arith.constant 0 : i32
    %c0_i32_1 = arith.constant 0 : i32
    return %c0_i32, %c0_i32_0 : i32, i32
  }
}

module attributes {stable_mosaic.version = 14 : i64} {
  func.func @_bn_kernel(%arg0: i32, %arg1: memref<2000x128xf32, #tpu.memory_space<vmem>>, %arg2: memref<2000x128xf32, #tpu.memory_space<vmem>>, %arg3: memref<1x128xf32, #tpu.memory_space<vmem>>, %arg4: memref<1x128xf32, #tpu.memory_space<vmem>>, %arg5: memref<1x128xf32, #tpu.memory_space<vmem>>, %arg6: memref<1x128xf32, #tpu.memory_space<vmem>>, %arg7: memref<2000x128xf32, #tpu.memory_space<vmem>>) attributes {dimension_semantics = [#tpu.dimension_semantics<arbitrary>], iteration_bounds = array<i64: 5>, scalar_prefetch = 0 : i64, scratch_operands = 0 : i64, tpu.core_type = #tpu.core_type<tc>, window_params = [{transform_indices = @transform_0, window_bounds = array<i64: 2000, 128>}, {transform_indices = @transform_1, window_bounds = array<i64: 2000, 128>}, {pipeline_mode = #tpu.pipeline_mode<synchronous>, transform_indices = @transform_2, window_bounds = array<i64: 1, 128>}, {pipeline_mode = #tpu.pipeline_mode<synchronous>, transform_indices = @transform_3, window_bounds = array<i64: 1, 128>}, {pipeline_mode = #tpu.pipeline_mode<synchronous>, transform_indices = @transform_4, window_bounds = array<i64: 1, 128>}, {pipeline_mode = #tpu.pipeline_mode<synchronous>, transform_indices = @transform_5, window_bounds = array<i64: 1, 128>}, {transform_indices = @transform_6, window_bounds = array<i64: 2000, 128>}]} {
    %get3A = arith.constant 0 : index
    %get3A_0 = arith.constant 0 : index
    %get3A_1 = vector.load %arg3[%get3A, %get3A_0] : memref<1x128xf32, #tpu.memory_space<vmem>>, vector<1x128xf32>
    %div3A = arith.constant 1.000000e+04 : f32
    %div3A_2 = vector.broadcast %div3A : f32 to vector<1x128xf32>
    %div3A_3 = arith.divf %get3A_1, %div3A_2 : vector<1x128xf32>
    %get3A_4 = arith.constant 0 : index
    %get3A_5 = arith.constant 0 : index
    %get3A_6 = vector.load %arg4[%get3A_4, %get3A_5] : memref<1x128xf32, #tpu.memory_space<vmem>>, vector<1x128xf32>
    %div3A_7 = arith.constant 1.000000e+04 : f32
    %div3A_8 = vector.broadcast %div3A_7 : f32 to vector<1x128xf32>
    %div3A_9 = arith.divf %get3A_6, %div3A_8 : vector<1x128xf32>
    %mul3A = arith.mulf %div3A_3, %div3A_3 : vector<1x128xf32>
    %sub3A = arith.subf %div3A_9, %mul3A : vector<1x128xf32>
    %get3A_10 = arith.constant 0 : index
    %get3A_11 = arith.constant 0 : index
    %get3A_12 = vector.load %arg1[%get3A_10, %get3A_11] : memref<2000x128xf32, #tpu.memory_space<vmem>>, vector<2000x128xf32>
    %sub3A_13 = vector.broadcast %div3A_3 : vector<1x128xf32> to vector<2000x128xf32>
    %sub3A_14 = arith.subf %get3A_12, %sub3A_13 : vector<2000x128xf32>
    %add3A = arith.constant 9.99999974E-6 : f32
    %add3A_15 = vector.broadcast %add3A : f32 to vector<1x128xf32>
    %add3A_16 = arith.addf %sub3A, %add3A_15 : vector<1x128xf32>
    %rsqrt3A = math.rsqrt %add3A_16 : vector<1x128xf32>
    %mul3A_17 = vector.broadcast %rsqrt3A : vector<1x128xf32> to vector<2000x128xf32>
    %mul3A_18 = arith.mulf %sub3A_14, %mul3A_17 : vector<2000x128xf32>
    %get3A_19 = arith.constant 0 : index
    %get3A_20 = arith.constant 0 : index
    %get3A_21 = vector.load %arg5[%get3A_19, %get3A_20] : memref<1x128xf32, #tpu.memory_space<vmem>>, vector<1x128xf32>
    %mul3A_22 = vector.broadcast %get3A_21 : vector<1x128xf32> to vector<2000x128xf32>
    %mul3A_23 = arith.mulf %mul3A_18, %mul3A_22 : vector<2000x128xf32>
    %get3A_24 = arith.constant 0 : index
    %get3A_25 = arith.constant 0 : index
    %get3A_26 = vector.load %arg6[%get3A_24, %get3A_25] : memref<1x128xf32, #tpu.memory_space<vmem>>, vector<1x128xf32>
    %add3A_27 = vector.broadcast %get3A_26 : vector<1x128xf32> to vector<2000x128xf32>
    %add3A_28 = arith.addf %mul3A_23, %add3A_27 : vector<2000x128xf32>
    %get3A_29 = arith.constant 0 : index
    %get3A_30 = arith.constant 0 : index
    %get3A_31 = vector.load %arg2[%get3A_29, %get3A_30] : memref<2000x128xf32, #tpu.memory_space<vmem>>, vector<2000x128xf32>
    %max3A = arith.constant 0.000000e+00 : f32
    %max3A_32 = vector.broadcast %max3A : f32 to vector<2000x128xf32>
    %max3A_33 = arith.maximumf %add3A_28, %max3A_32 : vector<2000x128xf32>
    %add3A_34 = arith.addf %get3A_31, %max3A_33 : vector<2000x128xf32>
    %swap3A = arith.constant 0 : index
    %swap3A_35 = arith.constant 0 : index
    %swap3A_36 = vector.load %arg7[%swap3A, %swap3A_35] : memref<2000x128xf32, #tpu.memory_space<vmem>>, vector<2000x128xf32>
    tpu.vector_store %arg7[%swap3A, %swap3A_35], %add3A_34 {strides = array<i32>} : memref<2000x128xf32, #tpu.memory_space<vmem>>, vector<2000x128xf32>,
    return
  }
  func.func @transform_0(%arg0: i32) -> (i32, i32) {
    %c0_i32 = arith.constant 0 : i32
    %c0_i32_0 = arith.constant 0 : i32
    return %arg0, %c0_i32 : i32, i32
  }
  func.func @transform_1(%arg0: i32) -> (i32, i32) {
    %c0_i32 = arith.constant 0 : i32
    %c0_i32_0 = arith.constant 0 : i32
    return %arg0, %c0_i32 : i32, i32
  }
  func.func @transform_2(%arg0: i32) -> (i32, i32) {
    %c0_i32 = arith.constant 0 : i32
    %c0_i32_0 = arith.constant 0 : i32
    %c0_i32_1 = arith.constant 0 : i32
    return %c0_i32, %c0_i32_0 : i32, i32
  }
  func.func @transform_3(%arg0: i32) -> (i32, i32) {
    %c0_i32 = arith.constant 0 : i32
    %c0_i32_0 = arith.constant 0 : i32
    %c0_i32_1 = arith.constant 0 : i32
    return %c0_i32, %c0_i32_0 : i32, i32
  }
  func.func @transform_4(%arg0: i32) -> (i32, i32) {
    %c0_i32 = arith.constant 0 : i32
    %c0_i32_0 = arith.constant 0 : i32
    %c0_i32_1 = arith.constant 0 : i32
    return %c0_i32, %c0_i32_0 : i32, i32
  }
  func.func @transform_5(%arg0: i32) -> (i32, i32) {
    %c0_i32 = arith.constant 0 : i32
    %c0_i32_0 = arith.constant 0 : i32
    %c0_i32_1 = arith.constant 0 : i32
    return %c0_i32, %c0_i32_0 : i32, i32
  }
  func.func @transform_6(%arg0: i32) -> (i32, i32) {
    %c0_i32 = arith.constant 0 : i32
    %c0_i32_0 = arith.constant 0 : i32
    return %arg0, %c0_i32 : i32, i32
  }
}

module attributes {stable_mosaic.version = 14 : i64} {
  func.func @_readout_kernel(%arg0: i32, %arg1: memref<2000x128xf32, #tpu.memory_space<vmem>>, %arg2: memref<128x64xf32, #tpu.memory_space<vmem>>, %arg3: memref<1x64xf32, #tpu.memory_space<vmem>>, %arg4: memref<64x32xf32, #tpu.memory_space<vmem>>, %arg5: memref<1x32xf32, #tpu.memory_space<vmem>>, %arg6: memref<32x1xf32, #tpu.memory_space<vmem>>, %arg7: memref<1x1xf32, #tpu.memory_space<vmem>>, %arg8: memref<1x1xf32, #tpu.memory_space<vmem>>, %arg9: memref<8x128xf32, #tpu.memory_space<vmem>>) attributes {dimension_semantics = [#tpu.dimension_semantics<arbitrary>], iteration_bounds = array<i64: 5>, scalar_prefetch = 0 : i64, scratch_operands = 1 : i64, tpu.core_type = #tpu.core_type<tc>, window_params = [{transform_indices = @transform_0, window_bounds = array<i64: 2000, 128>}, {pipeline_mode = #tpu.pipeline_mode<synchronous>, transform_indices = @transform_1, window_bounds = array<i64: 128, 64>}, {pipeline_mode = #tpu.pipeline_mode<synchronous>, transform_indices = @transform_2, window_bounds = array<i64: 1, 64>}, {pipeline_mode = #tpu.pipeline_mode<synchronous>, transform_indices = @transform_3, window_bounds = array<i64: 64, 32>}, {pipeline_mode = #tpu.pipeline_mode<synchronous>, transform_indices = @transform_4, window_bounds = array<i64: 1, 32>}, {pipeline_mode = #tpu.pipeline_mode<synchronous>, transform_indices = @transform_5, window_bounds = array<i64: 32, 1>}, {pipeline_mode = #tpu.pipeline_mode<synchronous>, transform_indices = @transform_6, window_bounds = array<i64: 1, 1>}, {pipeline_mode = #tpu.pipeline_mode<synchronous>, transform_indices = @transform_7, window_bounds = array<i64: 1, 1>}]} {
    %eq3A = arith.constant 0 : i32
    %eq3A_0 = arith.cmpi eq, %arg0, %eq3A : i32
    %convert_element_type3A = arith.extui %eq3A_0 : i1 to i32
    %cond3A = arith.constant 0 : i32
    %cond3A_1 = arith.cmpi ne, %convert_element_type3A, %cond3A : i32
    scf.if %cond3A_1 {
      %broadcast_in_dim3A_15 = arith.constant 0.000000e+00 : f32
      %broadcast_in_dim3A_16 = vector.broadcast %broadcast_in_dim3A_15 : f32 to vector<8x128xf32>
      %swap3A_17 = arith.constant 0 : index
      %swap3A_18 = arith.constant 0 : index
      %swap3A_19 = vector.load %arg9[%swap3A_17, %swap3A_18] : memref<8x128xf32, #tpu.memory_space<vmem>>, vector<8x128xf32>
      tpu.vector_store %arg9[%swap3A_17, %swap3A_18], %broadcast_in_dim3A_16 {strides = array<i32>} : memref<8x128xf32, #tpu.memory_space<vmem>>, vector<8x128xf32>,
    } else {
    }
    %get3A = arith.constant 0 : index
    %get3A_2 = arith.constant 0 : index
    %get3A_3 = vector.load %arg9[%get3A, %get3A_2] : memref<8x128xf32, #tpu.memory_space<vmem>>, vector<1x128xf32>
    %get3A_4 = arith.constant 0 : index
    %get3A_5 = arith.constant 0 : index
    %get3A_6 = vector.load %arg1[%get3A_4, %get3A_5] : memref<2000x128xf32, #tpu.memory_space<vmem>>, vector<2000x128xf32>
    %reduce_sum3A = arith.constant dense<0.000000e+00> : vector<128xf32>
    %reduce_sum3A_7 = vector.multi_reduction <add>, %get3A_6, %reduce_sum3A [0] : vector<2000x128xf32> to vector<128xf32>
    %broadcast_in_dim3A = vector.shape_cast %reduce_sum3A_7 : vector<128xf32> to vector<1x128xf32>
    %add3A = arith.addf %get3A_3, %broadcast_in_dim3A : vector<1x128xf32>
    %swap3A = arith.constant 0 : index
    %swap3A_8 = arith.constant 0 : index
    %swap3A_9 = vector.load %arg9[%swap3A, %swap3A_8] : memref<8x128xf32, #tpu.memory_space<vmem>>, vector<1x128xf32>
    tpu.vector_store %arg9[%swap3A, %swap3A_8], %add3A {strides = array<i32>} : memref<8x128xf32, #tpu.memory_space<vmem>>, vector<1x128xf32>,
    %eq3A_10 = arith.constant 4 : i32
    %eq3A_11 = arith.cmpi eq, %arg0, %eq3A_10 : i32
    %convert_element_type3A_12 = arith.extui %eq3A_11 : i1 to i32
    %cond3A_13 = arith.constant 0 : i32
    %cond3A_14 = arith.cmpi ne, %convert_element_type3A_12, %cond3A_13 : i32
    scf.if %cond3A_14 {
      %get3A_15 = arith.constant 0 : index
      %get3A_16 = arith.constant 0 : index
      %get3A_17 = vector.load %arg9[%get3A_15, %get3A_16] : memref<8x128xf32, #tpu.memory_space<vmem>>, vector<1x128xf32>
      %div3A = arith.constant 1.000000e+04 : f32
      %div3A_18 = vector.broadcast %div3A : f32 to vector<1x128xf32>
      %div3A_19 = arith.divf %get3A_17, %div3A_18 : vector<1x128xf32>
      %get3A_20 = arith.constant 0 : index
      %get3A_21 = arith.constant 0 : index
      %get3A_22 = vector.load %arg2[%get3A_20, %get3A_21] : memref<128x64xf32, #tpu.memory_space<vmem>>, vector<128x64xf32>
      %dot_general3A = arith.constant dense<0.000000e+00> : vector<1x64xf32>
      %dot_general3A_23 = tpu.matmul %div3A_19, %get3A_22, %dot_general3A {dimension_numbers = #tpu.dot_dimension_numbers<[1], [0], [0], [1], [0, 0, 1, 1], [], []>, transpose_lhs_hint = false} : vector<1x128xf32>, vector<128x64xf32>, vector<1x64xf32> -> vector<1x64xf32>
      %get3A_24 = arith.constant 0 : index
      %get3A_25 = arith.constant 0 : index
      %get3A_26 = vector.load %arg3[%get3A_24, %get3A_25] : memref<1x64xf32, #tpu.memory_space<vmem>>, vector<1x64xf32>
      %add3A_27 = arith.addf %dot_general3A_23, %get3A_26 : vector<1x64xf32>
      %max3A = arith.constant 0.000000e+00 : f32
      %max3A_28 = vector.broadcast %max3A : f32 to vector<1x64xf32>
      %max3A_29 = arith.maximumf %add3A_27, %max3A_28 : vector<1x64xf32>
      %get3A_30 = arith.constant 0 : index
      %get3A_31 = arith.constant 0 : index
      %get3A_32 = vector.load %arg4[%get3A_30, %get3A_31] : memref<64x32xf32, #tpu.memory_space<vmem>>, vector<64x32xf32>
      %dot_general3A_33 = arith.constant dense<0.000000e+00> : vector<1x32xf32>
      %dot_general3A_34 = tpu.matmul %max3A_29, %get3A_32, %dot_general3A_33 {dimension_numbers = #tpu.dot_dimension_numbers<[1], [0], [0], [1], [0, 0, 1, 1], [], []>, transpose_lhs_hint = false} : vector<1x64xf32>, vector<64x32xf32>, vector<1x32xf32> -> vector<1x32xf32>
      %get3A_35 = arith.constant 0 : index
      %get3A_36 = arith.constant 0 : index
      %get3A_37 = vector.load %arg5[%get3A_35, %get3A_36] : memref<1x32xf32, #tpu.memory_space<vmem>>, vector<1x32xf32>
      %add3A_38 = arith.addf %dot_general3A_34, %get3A_37 : vector<1x32xf32>
      %max3A_39 = arith.constant 0.000000e+00 : f32
      %max3A_40 = vector.broadcast %max3A_39 : f32 to vector<1x32xf32>
      %max3A_41 = arith.maximumf %add3A_38, %max3A_40 : vector<1x32xf32>
      %get3A_42 = arith.constant 0 : index
      %get3A_43 = arith.constant 0 : index
      %get3A_44 = vector.load %arg6[%get3A_42, %get3A_43] : memref<32x1xf32, #tpu.memory_space<vmem>>, vector<32x1xf32>
      %dot_general3A_45 = arith.constant dense<0.000000e+00> : vector<1x1xf32>
      %dot_general3A_46 = tpu.matmul %max3A_41, %get3A_44, %dot_general3A_45 {dimension_numbers = #tpu.dot_dimension_numbers<[1], [0], [0], [1], [0, 0, 1, 1], [], []>, transpose_lhs_hint = false} : vector<1x32xf32>, vector<32x1xf32>, vector<1x1xf32> -> vector<1x1xf32>
      %get3A_47 = arith.constant 0 : index
      %get3A_48 = arith.constant 0 : index
      %get3A_49 = vector.load %arg7[%get3A_47, %get3A_48] : memref<1x1xf32, #tpu.memory_space<vmem>>, vector<1x1xf32>
      %add3A_50 = arith.addf %dot_general3A_46, %get3A_49 : vector<1x1xf32>
      %swap3A_51 = arith.constant 0 : index
      %swap3A_52 = arith.constant 0 : index
      %swap3A_53 = vector.load %arg8[%swap3A_51, %swap3A_52] : memref<1x1xf32, #tpu.memory_space<vmem>>, vector<1x1xf32>
      tpu.vector_store %arg8[%swap3A_51, %swap3A_52], %add3A_50 {strides = array<i32>} : memref<1x1xf32, #tpu.memory_space<vmem>>, vector<1x1xf32>,
    } else {
    }
    return
  }
  func.func @transform_0(%arg0: i32) -> (i32, i32) {
    %c0_i32 = arith.constant 0 : i32
    %c0_i32_0 = arith.constant 0 : i32
    return %arg0, %c0_i32 : i32, i32
  }
  func.func @transform_1(%arg0: i32) -> (i32, i32) {
    %c0_i32 = arith.constant 0 : i32
    %c0_i32_0 = arith.constant 0 : i32
    %c0_i32_1 = arith.constant 0 : i32
    return %c0_i32, %c0_i32_0 : i32, i32
  }
  func.func @transform_2(%arg0: i32) -> (i32, i32) {
    %c0_i32 = arith.constant 0 : i32
    %c0_i32_0 = arith.constant 0 : i32
    %c0_i32_1 = arith.constant 0 : i32
    return %c0_i32, %c0_i32_0 : i32, i32
  }
  func.func @transform_3(%arg0: i32) -> (i32, i32) {
    %c0_i32 = arith.constant 0 : i32
    %c0_i32_0 = arith.constant 0 : i32
    %c0_i32_1 = arith.constant 0 : i32
    return %c0_i32, %c0_i32_0 : i32, i32
  }
  func.func @transform_4(%arg0: i32) -> (i32, i32) {
    %c0_i32 = arith.constant 0 : i32
    %c0_i32_0 = arith.constant 0 : i32
    %c0_i32_1 = arith.constant 0 : i32
    return %c0_i32, %c0_i32_0 : i32, i32
  }
  func.func @transform_5(%arg0: i32) -> (i32, i32) {
    %c0_i32 = arith.constant 0 : i32
    %c0_i32_0 = arith.constant 0 : i32
    %c0_i32_1 = arith.constant 0 : i32
    return %c0_i32, %c0_i32_0 : i32, i32
  }
  func.func @transform_6(%arg0: i32) -> (i32, i32) {
    %c0_i32 = arith.constant 0 : i32
    %c0_i32_0 = arith.constant 0 : i32
    %c0_i32_1 = arith.constant 0 : i32
    return %c0_i32, %c0_i32_0 : i32, i32
  }
  func.func @transform_7(%arg0: i32) -> (i32, i32) {
    %c0_i32 = arith.constant 0 : i32
    %c0_i32_0 = arith.constant 0 : i32
    %c0_i32_1 = arith.constant 0 : i32
    return %c0_i32, %c0_i32_0 : i32, i32
  }
}

</mosaic_0001>

<sc_bundles>
// kernel: gather_offload_async_start.1
scs
__scs_entry_jumppad:
0x0: {  	(pc) =	sbr.rel $0x88, $3  }
0x1: {  	(tag) =	ssettag $0x0;
	lr =	simm.s32 $0x1  }
0x2: {  	[smem:$0x3F8A] =	sst lr;
	_ =	strace $0xD0000000  }
0x3: {  	_ = 	snop  }
0x4: {  	_ = 	snop  }
0x5: {  	_ = 	snop  }
0x6: {  	_ = 	snop  }
0x7: {  	_ = 	snop  }
__scs_overlays_trampoline_lowered:
0x8: {  	[smem:$0x3F99] =	sst s0  }
0x9: {  	[smem:$0x3F9A] =	sst s1  }
0xa: {  	[smem:$0x3F9B] =	sst s2  }
0xb: {  	[smem:$0x3F9C] =	sst s3  }
0xc: {  	[smem:$0x3F9D] =	sst s4  }
0xd: {  	[smem:$0x3F9E] =	sst s5  }
0xe: {  	[smem:$0x3F9F] =	sst s6  }
0xf: {  	[smem:$0x3FA0] =	sst s7  }
0x10: {  	[smem:$0x3FA1] =	sst s8  }
0x11: {  	[smem:$0x3FA2] =	sst s9;
	s0 =	simm.s32 @!p0 $0x0  }
0x12: {  	s1 =	sld [smem:$0x3F88];
	s0 =	simm.s32 @p0 $0x1  }
0x13: {  	[smem:$0x3FA3] =	sst s0;
	s0 =	simm.s32 @!p1 $0x0  }
0x14: {  	s2 =	sld [smem:$0x3F87];
	s0 =	simm.s32 @p1 $0x1  }
0x15: {  	[smem:$0x3FA4] =	sst s0;
	s0 =	simm.s32 @!p2 $0x0  }
0x16: {  	s3 =	sld [smem:$0x3FDB];
	s0 =	simm.s32 @p2 $0x1  }
0x17: {  	s4 =	simm.s32 $0x1BF5;
	[smem:$0x3FA6] =	sst s0  }
0x18: {  	s0 =	sld [smem:$0x3F89];
	_ =	swait.ge [sflag:s4], $0x0  }
0x19: {  	s7 =	sld [smem:$0x3F8A]  }
0x1a: {  	s8 =	sadd.s32 $0xFFFFE003, lr  }
0x1b: {  	s9 =	sadd.s32 $0xFFFFFEF7, lr;
	s5 =	simm.s32 $0xFFFFFFFF;
	p2 =	slt.u32 s8, $0xFFFFF086  }
0x1c: {  	p1 =	slt.u32 s9, $0xF7A;
	s5 =	simm.s32 @!p2 $0x0  }
0x1d: {  	s5 =	simm.s32 @p1 $0x1;
	p0 =	seq.s32 s7, s2  }
0x1e: {  	s7 =	smul.u32 @!p0 $0xF7A, s2;
	p2 =	seq.s32 @!p0 s5, $0x0  }
0x1f: {  	s9 =	smul.u32 $0xF7A, s1;
	s8 =	simm.s32 @!p0 $0x1BF5;
	p2 =	por !p2, p0  }
0x20: {  	[sflag:s8] =	ssyncset.s32 @!p0 $0xFFFFF086;
	s6 =	sadd.s32 @!p0 s3, s7;
	s7 =	simm.s32 @!p0 $0x108  }
0x21: {  	s3 =	sadd.s32 s3, s9;
	s6 =	sadd.s32 @!p0 $0x88, s6;
	s7 =	simm.s32 @p2 $0x1082  }
0x22: {  	[simem:s7], [sflag:s8] =	dma.local @!p0 [hbm:s6], $0xF7A  }
0x23: {  	s9 =	sor.u32 $0xD0000000, s2;
	s6 =	simm.s32 $0x108;
	_ =	swait.ge @!p0 [sflag:s8], $0x0  }
0x24: {  	s3 =	sadd.s32 $0x88, s3;
	s6 =	simm.s32 @!p1 $0x1082;
	[sflag:s4] =	ssyncset.s32 $0xFFFFF086  }
0x25: {  	[simem:s6], [sflag:s4] =	dma.local [hbm:s3], $0xF7A  }
0x26: {  	[smem:$0x3F8A] =	sst s1;
	(tag) =	ssettag s2;
	_ =	strace s9  }
0x27: {  	s1 =	sld [smem:$0x3F9A]  }
0x28: {  	s2 =	sld [smem:$0x3F9B]  }
0x29: {  	s4 =	sld [smem:$0x3F9D]  }
0x2a: {  	p0 =	seq.s32 s5, $0x0;
	s5 =	sld [smem:$0x3F9E]  }
0x2b: {  	s6 =	sld [smem:$0x3F9F]  }
0x2c: {  	s7 =	sld [smem:$0x3FA0]  }
0x2d: {  	s3 =	simm.s32 $0x108;
	s8 =	sld [smem:$0x3FA1]  }
0x2e: {  	s3 =	simm.s32 @!p0 $0x1082;
	s9 =	sld [smem:$0x3FA2]  }
0x2f: {  	lr =	sadd.s32 s0, s3;
	s0 =	sld [smem:$0x3F99]  }
0x30: {  	s3 =	sld [smem:$0x3F9C]  }
0x31: {  	[smem:$0x3FA5] =	sst s10  }
0x32: {  	s10 =	sld [smem:$0x3FA3];
	_ =	sdelay $0x3  }
0x33: {  	p0 =	seq.s32 s10, $0x1;
	s10 =	sld [smem:$0x3FA5];
	_ =	sdelay $0x3  }
0x34: {  	[smem:$0x3FA5] =	sst s10  }
0x35: {  	s10 =	sld [smem:$0x3FA4];
	_ =	sdelay $0x3  }
0x36: {  	p1 =	seq.s32 s10, $0x1;
	s10 =	sld [smem:$0x3FA5];
	_ =	sdelay $0x3  }
0x37: {  	[smem:$0x3FA5] =	sst s10  }
0x38: {  	s10 =	sld [smem:$0x3FA6]  }
0x39: {  	_ = 	snop;
	(pc) =	sbr.ind lr, $3  }
0x3a: {  	_ = 	snop  }
0x3b: {  	_ = 	snop  }
0x3c: {  	p2 =	seq.s32 s10, $0x1;
	s10 =	sld [smem:$0x3FA5]  }
0x3d: {  	_ =	shalt  }
0x3e: {  	_ =	shalt  }
0x3f: {  	_ =	shalt  }
0x40: {  	_ =	shalt  }
0x41: {  	_ =	shalt  }
0x42: {  	_ =	shalt  }
0x43: {  	_ =	shalt  }
0x44: {  	_ =	shalt  }
0x45: {  	_ =	shalt  }
0x46: {  	_ =	shalt  }
0x47: {  	_ =	shalt  }
0x48: {  	_ =	shalt  }
0x49: {  	_ =	shalt  }
0x4a: {  	_ =	shalt  }
0x4b: {  	_ =	shalt  }
0x4c: {  	_ =	shalt  }
0x4d: {  	_ =	shalt  }
0x4e: {  	_ =	shalt  }
0x4f: {  	_ =	shalt  }
0x50: {  	_ =	shalt  }
0x51: {  	_ =	shalt  }
0x52: {  	_ =	shalt  }
0x53: {  	_ =	shalt  }
0x54: {  	_ =	shalt  }
0x55: {  	_ =	shalt  }
0x56: {  	_ =	shalt  }
0x57: {  	_ =	shalt  }
0x58: {  	_ =	shalt  }
0x59: {  	_ =	shalt  }
0x5a: {  	_ =	shalt  }
0x5b: {  	_ =	shalt  }
0x5c: {  	_ =	shalt  }
0x5d: {  	_ =	shalt  }
0x5e: {  	_ =	shalt  }
0x5f: {  	_ =	shalt  }
0x60: {  	_ =	shalt  }
0x61: {  	_ =	shalt  }
0x62: {  	_ =	shalt  }
0x63: {  	_ =	shalt  }
0x64: {  	_ =	shalt  }
0x65: {  	_ =	shalt  }
0x66: {  	_ =	shalt  }
0x67: {  	_ =	shalt  }
0x68: {  	_ =	shalt  }
0x69: {  	_ =	shalt  }
0x6a: {  	_ =	shalt  }
0x6b: {  	_ =	shalt  }
0x6c: {  	_ =	shalt  }
0x6d: {  	_ =	shalt  }
0x6e: {  	_ =	shalt  }
0x6f: {  	_ =	shalt  }
0x70: {  	_ =	shalt  }
0x71: {  	_ =	shalt  }
0x72: {  	_ =	shalt  }
0x73: {  	_ =	shalt  }
0x74: {  	_ =	shalt  }
0x75: {  	_ =	shalt  }
0x76: {  	_ =	shalt  }
0x77: {  	_ =	shalt  }
0x78: {  	_ =	shalt  }
0x79: {  	_ =	shalt  }
0x7a: {  	_ =	shalt  }
0x7b: {  	_ =	shalt  }
0x7c: {  	_ =	shalt  }
0x7d: {  	_ =	shalt  }
0x7e: {  	_ =	shalt  }
0x7f: {  	_ =	shalt  }
0x80: {  	_ =	shalt  }
0x81: {  	_ =	shalt  }
0x82: {  	_ =	shalt  }
0x83: {  	_ =	shalt  }
0x84: {  	_ =	shalt  }
0x85: {  	_ =	shalt  }
0x86: {  	_ =	shalt  }
0x87: {  	_ =	shalt  }
.Lfunc_end0:
.L_simem_size_0:
called_computation.1_lowered:
.L_overlay_start_0:
0x88: {  	s2 =	sld [smem:$0x3FD9]  }
0x89: {  	s3 =	sld [smem:$0x3FFE];
	_ =	sdelay $0x1  }
0x8a: {  	s1 =	srdreg.scid  }
0x8b: {  	s0 =	sand.u32 $0x1, s1  }
0x8c: {  	s16 =	sshll.u32 s0, $0xA;
	s2 =	sadd.s32 s3, s2  }
0x8d: {  	s2 =	sadd.s32 s2, s16  }
0x8e: {  	[smem:$0x3FB1] =	sst s2  }
0x8f: {  	_ = 	snop  }
0x90: {  	(tm) =	ssettm $0x1  }
0x91: {  	s17 =	sld [smem:$0x3FFB];
	_ =	sdelay $0x3  }
0x92: {  	_ =	strace s17  }
0x93: {  	s2 =	sld [smem:$0x3FFC];
	_ =	sdelay $0x3  }
0x94: {  	_ =	strace s2  }
0x95: {  	s2 =	sld [smem:$0x3FFD];
	_ =	sdelay $0x3  }
0x96: {  	_ =	strace s2  }
0x97: {  	_ =	strace $0x8FFFFFFF  }
0x98: {  	s18 =	sld [smem:$0x3FDB];
	_ =	sdelay $0x1  }
0x99: {  	s19 =	simm.s32 $_scs_section_size  }
0x9a: {  	s4 =	simm.s32 $_size__tile_overlayer_lowered;
	s5 =	simm.s32 $_tile_overlayer_lowered  }
0x9b: {  	s22 =	simm.s32 $0x1BFF;
	s21 =	sshll.u32 s5, $0x1;
	s2 =	sadd.s32 s19, s18  }
0x9c: {  	s6 =	simm.s32 $0x0;
	s20 =	sshll.u32 s4, $0x1;
	s4 =	sadd.s32 s21, s2  }
0x9d: {  	[timem:s6], [sflag:s22] =	dma.local [hbm:s4], s20  }
0x9e: {  	_ =	swait.ge [sflag:s22], s20  }
0x9f: {  	s3 =	ssub.s32 $0x0, s20;
	[sflag:s22] =	ssyncset.done $0x0  }
0xa0: {  	[sflag:s22] =	ssyncadd.s32 s3;
	_ =	sdelay $0x1  }
0xa1: {  	s23 =	simm.s32 $0x1B8B  }
0xa2: {  	_ =	swait.ge [sflag:s23], $0x1  }
0xa3: {  	[sflag:s23] =	ssyncset.done $0x0  }
0xa4: {  	s25 =	simm.s32 $0x1B8E;
	s24 =	sld [smem:$0x3FFE];
	[sflag:s23] =	ssyncadd.s32 $0xFFFFFFFF  }
0xa5: {  	s26 =	simm.s32 $execute0_lowered;
	[smem:$0x3FD2] =	sst s25  }
0xa6: {  	s4 =	sshll.u32 s26, $0x1;
	_ =	strace $0x80000049;
	[dreg:$0x1] =	wrdreg $0xFFFFFFFF  }
0xa7: {  	s28 =	simm.s32 $_size_execute0_lowered;
	s2 =	sadd.s32 s2, s4;
	[dreg:$0x0] =	wrdreg $0x0  }
0xa8: {  	s4 =	sshll.u32 s28, $0x1;
	[dreg:$0x2] =	wrdreg s2  }
0xa9: {  	[dreg:$0x3] =	wrdreg s4  }
0xaa: {  	[dreg:$0x4] =	wrdreg $0xC0  }
0xab: {  	_ =	task [dreg:s6], $0x5FFFF  }
0xac: {  	[dreg:$0x1] =	wrdreg $0xFFFFFFFF  }
0xad: {  	[dreg:$0x0] =	wrdreg $0x60  }
0xae: {  	[dreg:$0x2] =	wrdreg s24  }
0xaf: {  	[dreg:$0x3] =	wrdreg $0x9  }
0xb0: {  	_ =	task.clear_ibuf [dreg:s6], $0x4FFFF;
	_ =	strace $0x90000049  }
0xb1: {  	s29 =	simm.s32 $0x9;
	_ =	strace $0x8000004B  }
0xb2: {  	_ =	swait.ge [sflag:s29], $0x1  }
0xb3: {  	[sflag:s29] =	ssyncadd.s32 $0xFFFFFFFF  }
0xb4: {  	_ =	strace $0x9000004B  }
0xb5: {  	_ =	sfence  }
0xb6: {  	s30 =	sld [smem:$0x0];
	_ =	sdelay $0x2  }
0xb7: {  	s31 =	sshll.u32 s1, $0xD;
	s1 =	sshrl.u32 s1, $0x2  }
0xb8: {  	s3 =	sand.u32 $0x4000, s31;
	s1 =	sadd.s32 s1, s30  }
0xb9: {  	s0 =	sor.u32 s3, s0;
	s1 =	sshll.u32 s1, $0x11  }
0xba: {  	s0 =	sor.u32 s1, s0  }
0xbb: {  	s0 =	sadd.s32 $0x8F2B, s0  }
0xbc: {  	[sflag:s0] =	ssyncadd.remote.s32 $0x1  }
0xbd: {  	_ =	sfence.sel $0xFFFF  }
0xbe: {  	[dreg:$0x0] =	wrdreg $0xFFFFFFFF;
	(pc) =	sbr.abs _section_cstart, $3  }
0xbf: {  	[dreg:$0x1] =	wrdreg $0xFFFFFFFF  }
0xc0: {  	_ =	task.clear_ibuf [dreg:s6], $0x2FFFF;
	_ =	strace $0x9FFFFFFF  }
0xc1: {  	(tm) =	ssettm $0x7FFFFFFF  }
tec
execute0_lowered:
.L_overlay_start_1:
0x0: {  	(tag) =	ssettag $0x1  }
0x1: {  	s8 =	rddreg [dreg:$0x0]  }
0x2: {  	s0 =	rddreg [dreg:$0x1];
	_ =	strace $0x8000004A;
	s1 =	stileid.u32  }
0x3: {  	s3 =	srdreg.scid;
	s4 =	simm.s32 $0x1;
	s7 =	simm.s32 $0x1  }
0x4: {  	s9 =	simm.s32 $0x1;
	s10 =	simm.s32 $0x3;
	s13 =	simm.s32 $0x0  }
0x5: {  	s12 =	simm.s32 $0x0;
	s5 =	sand.u32 $0x1, s3;
	s6 =	sshll.u32 s1, $0x1  }
0x6: {  	s2 =	sadd.s32 $0x18800, s8;
	s3 =	sadd.s32 $0x2C400, s8;
	s5 =	sor.u32 s6, s5  }
.Ltmp0:
0x7: {  	[sflag:s4] =	ssyncpa.u1 $0x0;
	p0 =	slt.u32 s5, $0x9;
	(pc) =	sbr.rel .LBB2_1-.Ltmp0, $4  }
0x8: {  	s6 =	simm.s32 $0x2;
	s7 =	simm.s32 @!p0 $0x0;
	p0 =	sne.s32 s5, $0x8  }
0x9: {  	[sflag:s6] =	ssyncpa.u1 $0x0;
	s5 =	smul.u32 $0x1F40, s5;
	s9 =	simm.s32 @!p0 $0x0  }
0xa: {  	s8 =	sadd.s32 $0x22600, s8;
	[sflag:s10] =	ssyncpa.u1 $0x0;
	s7 =	sadd.s32 s9, s7  }
0xb: {  	vm0 =	vmmov $0xffff;
	s10 =	simm.s32 $0x0;
	s11 =	smov.u32 s5;
	s9 =	sadd.s32 $0x1, s7  }
.LBB2_4:
0xc: {  	v2 =	vnsel vm1, $0x0, v2  }
0xd: {  	vm1 =	vgt.s32 v0, $0x0;
	v2 =	vmin.u32 v2, $0x4E1FF  }
0xe: {  	v0 =	vnsel vm1, $0x0, v0  }
0xf: {  	v0 =	vmin.u32 v0, $0x4E1FF  }
0x10: {  	[tilespmem:s18], [sflag:$0x1] =	stream.indirect_vreg.gather [hbm4b:s2+s10], $0x1, v1, vm0, $0x4038;
	[tilespmem:$0x7D00] =	vst v63  }
0x11: {  	(ifvalue) =	ssetifvalue $0x7FFFFFFF  }
0x12: {  	[tilespmem:s15], [sflag:$0x1] =	stream.indirect_vreg.gather [hbm4b:s2+s10], $0x1, v2, vm0, $0x4038;
	[tilespmem:$0x7D00] =	vst v63  }
0x13: {  	s29 =	sadd.s32 $0x10, s15;
	(ifvalue) =	ssetifvalue $0x7FFFFFFF  }
0x14: {  	[tilespmem:s29], [sflag:$0x1] =	stream.indirect_vreg.gather [hbm4b:s2+s10], $0x1, v0, vm0, $0x4038;
	[tilespmem:$0x7D00] =	vst v63  }
0x15: {  	_ =	swait.ge [sflag:s4], $0x1F40  }
0x16: {  	s30 =	sshrl.u32 s13, $0x3;
	[sflag:s4] =	ssyncset.done $0x0  }
0x17: {  	s31 =	sand.u32 $0x7, s13;
	s15 =	sadd.s32 s8, s30;
	[sflag:s4] =	ssyncadd.s32 $0xFFFFE0C0  }
0x18: {  	[hbm4b:s15+s31] =	stream.linear.scatter [tilespmem:s14], [sflag:$0x3], $0x1F40, $0x38;
	[tilespmem:$0x7D00] =	vst v63  }
.LBB2_5:
0x19: {  	s15 =	sadd.s32 $0x3E800, s11  }
0x1a: {  	p1 =	sgt.s32 s15, $0x4E1FF  }
0x1b: {  	s15 =	smov.u32 @p1 s5;
	p1 =	sne.s32 s12, s9  }
.Ltmp1:
0x1c: {  	p0 =	slt.u32 s12, $0x2;
	(pc) =	sbr.rel @!p1 .LBB2_6-.Ltmp1, $4  }
0x1d: {  	s14 =	simm.s32 @!p0 $0x3  }
0x1e: {  	_ =	swait.ge @!p0 [sflag:s14], $0x1F40  }
0x1f: {  	s16 =	sadd.s32 $0x1, s12;
	s13 =	smov.u32 s11;
	[sflag:s14] =	ssyncset.done @!p0 $0x0  }
0x20: {  	s12 =	smov.u32 s16;
	s11 =	smov.u32 s15;
	[sflag:s14] =	ssyncadd.s32 @!p0 $0xFFFFE0C0  }
.LBB2_1:
0x21: {  	p0 =	sge.u32 s12, s7  }
0x22: {  	s14 =	sxor.u32 @!p0 $0x1, s12  }
0x23: {  	s14 =	smul.u32 @!p0 $0x7D00, s14  }
0x24: {  	s31 =	sadd.s32 $0xFFFFFFFF, s12;
	s15 =	sshrl.u32 @!p0 s11, $0x3  }
0x25: {  	s16 =	sand.u32 @!p0 $0x7, s11;
	s15 =	sadd.s32 @!p0 s3, s15;
	s14 =	sshra.s32 @!p0 s14, $0x2  }
0x26: {  	[tilespmem:s14], [sflag:$0x2] =	stream.linear.gather @!p0 [hbm4b:s15+s16], $0x1F40, $0x38;
	[tilespmem:$0x7D00] =	vst v63  }
0x27: {  	p0 =	sge.u32 s31, s7  }
.Ltmp2:
0x28: {  	_ = 	snop;
	(pc) =	sbr.rel @p0 .LBB2_5-.Ltmp2, $1  }
0x29: {  	_ =	sdelay $0x3  }
0x2a: {  	s14 =	sand.u32 $0x1, s12  }
0x2b: {  	_ =	swait.ge [sflag:s6], $0x1F40;
	p0 =	seq.s32 s14, $0x1;
	s14 =	simm.s32 $0x1F40  }
0x2c: {  	[sflag:s6] =	ssyncset.done $0x0;
	s14 =	simm.s32 @!p0 $0x0  }
0x2d: {  	[sflag:s6] =	ssyncadd.s32 $0xFFFFE0C0;
	(ifvalue) =	ssetifvalue $0x7FFFFFFF;
	v0 =	vld.msk [tilespmem:s14+$0x0 ss:$0x1], $0xffff;
	_ =	sdelay $0x4  }
0x2e: {  	s15 =	sadd.s32 $0x10, s14;
	vm1 =	vgt.s32 v0, $0x0  }
0x2f: {  	v2 =	vld.msk [tilespmem:s15+$0x0 ss:$0x1], $0xffff;
	v1 =	vnsel vm1, $0x0, v0  }
0x30: {  	v1 =	vmin.u32 v1, $0x4E1FF;
	_ =	sdelay $0x2  }
0x31: {  	s17 =	simm.s32 $0x20;
	s14 =	sadd.s32 $0x3E80, s14;
	s16 =	sadd.s32 $0x10, s15  }
0x32: {  	s15 =	sadd.s32 $0x10, s14;
	s18 =	smov.u32 s14;
	v0 =	vld.msk [tilespmem:s16+$0x0 ss:$0x1], $0xffff;
	vm1 =	vgt.s32 v2, $0x0;
	(ifvalue) =	ssetifvalue $0x7FFFFFFF  }
.LBB2_3:
0x33: {  	[tilespmem:s18], [sflag:$0x1] =	stream.indirect_vreg.gather [hbm4b:s2+s10], $0x1, v1, vm0, $0x4038;
	[tilespmem:$0x7D00] =	vst v63  }
0x34: {  	s17 =	sadd.s32 $0x10, s17  }
0x35: {  	v2 =	vnsel vm1, $0x0, v2;
	p0 =	slt.u32 s17, $0x1F30  }
.Ltmp3:
0x36: {  	s18 =	smov.u32 s15;
	v1 =	vmin.u32 v2, $0x4E1FF;
	(pc) =	sbr.rel @p0 .LBB2_3-.Ltmp3, $3  }
0x37: {  	_ =	sdelay $0x1  }
0x38: {  	s16 =	sadd.s32 $0x10, s16  }
0x39: {  	vm1 =	vgt.s32 v0, $0x0;
	s15 =	sadd.s32 $0x10, s15;
	v2 =	vmov v0;
	(ifvalue) =	ssetifvalue $0x7FFFFFFF;
	v0 =	vld.msk [tilespmem:s16+$0x0 ss:$0x1], $0xffff  }
.Ltmp4:
0x3a: {  	_ = 	snop;
	(pc) =	sbr.rel .LBB2_4-.Ltmp4, $1  }
0x3b: {  	_ =	sdelay $0x3  }
.LBB2_6:
0x3c: {  	_ =	sfence.sel $0x180000  }
0x3d: {  	s2 =	simm.s32 $0x2;
	[bflag:$0x0] =	sbarrier.arrive $0xFFFF  }
0x3e: {  	s30 =	simm.s32 $0x3;
	[sflag:s2] =	ssyncpa.u1 $0x1  }
0x3f: {  	s31 =	simm.s32 $0x1;
	[sflag:s30] =	ssyncpa.u1 $0x1  }
0x40: {  	[sflag:s31] =	ssyncpa.u1 $0x1  }
0x41: {  	p0 =	sne.s32 s1, $0x0;
	_ =	strace $0x9000004A  }
0x42: {  	s0 =	sadd.s32 @!p0 $0x100000, s0;
	[bflag:$0x2] =	sbarrier.arrive $0xFFFF  }
0x43: {  	[sflag:s0] =	ssyncadd.tile.s32 @!p0 $0x1;
	_ =	shalt  }
.Lfunc_end2:
_tile_overlayer_lowered:
.L_overlay_start_2:
0x44: {  	(tag) =	ssettag $0x2  }
0x45: {  	s0 =	rddreg [dreg:$0x0];
	s2 =	stileid.u32  }
0x46: {  	s1 =	rddreg [dreg:$0x1];
	p0 =	sne.s32 s2, $0x0  }
0x47: {  	s3 =	rddreg [dreg:$0x2];
	[bflag:$0x3] =	sbarrier.arrive $0xFFFF;
	s2 =	simm.s32 @!p0 $0x1C01  }
0x48: {  	[timem:s3], [sflag:s2] =	dma.local @!p0 [hbm:s0], s1  }
0x49: {  	s0 =	simm.s32 @!p0 $0x1  }
0x4a: {  	_ =	swait.ge @!p0 [sflag:s0], s1  }
0x4b: {  	s1 =	ssub.s32 @!p0 $0x0, s1;
	[sflag:s0] =	ssyncset.done @!p0 $0x0  }
0x4c: {  	[sflag:s0] =	ssyncadd.s32 @!p0 s1  }
0x4d: {  	[bflag:$0x3] =	sbarrier.arrive $0xFFFF  }
0x4e: {  	_ =	shalt  }

// kernel: gather_offload_async_start.2
scs
__scs_entry_jumppad:
0x0: {  	(pc) =	sbr.rel $0x88, $3  }
0x1: {  	(tag) =	ssettag $0x0;
	lr =	simm.s32 $0x1  }
0x2: {  	[smem:$0x3F8A] =	sst lr;
	_ =	strace $0xD0000000  }
0x3: {  	_ = 	snop  }
0x4: {  	_ = 	snop  }
0x5: {  	_ = 	snop  }
0x6: {  	_ = 	snop  }
0x7: {  	_ = 	snop  }
__scs_overlays_trampoline_lowered:
0x8: {  	[smem:$0x3F99] =	sst s0  }
0x9: {  	[smem:$0x3F9A] =	sst s1  }
0xa: {  	[smem:$0x3F9B] =	sst s2  }
0xb: {  	[smem:$0x3F9C] =	sst s3  }
0xc: {  	[smem:$0x3F9D] =	sst s4  }
0xd: {  	[smem:$0x3F9E] =	sst s5  }
0xe: {  	[smem:$0x3F9F] =	sst s6  }
0xf: {  	[smem:$0x3FA0] =	sst s7  }
0x10: {  	[smem:$0x3FA1] =	sst s8  }
0x11: {  	[smem:$0x3FA2] =	sst s9;
	s0 =	simm.s32 @!p0 $0x0  }
0x12: {  	s1 =	sld [smem:$0x3F88];
	s0 =	simm.s32 @p0 $0x1  }
0x13: {  	[smem:$0x3FA3] =	sst s0;
	s0 =	simm.s32 @!p1 $0x0  }
0x14: {  	s2 =	sld [smem:$0x3F87];
	s0 =	simm.s32 @p1 $0x1  }
0x15: {  	[smem:$0x3FA4] =	sst s0;
	s0 =	simm.s32 @!p2 $0x0  }
0x16: {  	s3 =	sld [smem:$0x3FDB];
	s0 =	simm.s32 @p2 $0x1  }
0x17: {  	s4 =	simm.s32 $0x1BF5;
	[smem:$0x3FA6] =	sst s0  }
0x18: {  	s0 =	sld [smem:$0x3F89];
	_ =	swait.ge [sflag:s4], $0x0  }
0x19: {  	s7 =	sld [smem:$0x3F8A]  }
0x1a: {  	s8 =	sadd.s32 $0xFFFFE003, lr  }
0x1b: {  	s9 =	sadd.s32 $0xFFFFFEF7, lr;
	s5 =	simm.s32 $0xFFFFFFFF;
	p2 =	slt.u32 s8, $0xFFFFF086  }
0x1c: {  	p1 =	slt.u32 s9, $0xF7A;
	s5 =	simm.s32 @!p2 $0x0  }
0x1d: {  	s5 =	simm.s32 @p1 $0x1;
	p0 =	seq.s32 s7, s2  }
0x1e: {  	s7 =	smul.u32 @!p0 $0xF7A, s2;
	p2 =	seq.s32 @!p0 s5, $0x0  }
0x1f: {  	s9 =	smul.u32 $0xF7A, s1;
	s8 =	simm.s32 @!p0 $0x1BF5;
	p2 =	por !p2, p0  }
0x20: {  	[sflag:s8] =	ssyncset.s32 @!p0 $0xFFFFF086;
	s6 =	sadd.s32 @!p0 s3, s7;
	s7 =	simm.s32 @!p0 $0x108  }
0x21: {  	s3 =	sadd.s32 s3, s9;
	s6 =	sadd.s32 @!p0 $0x88, s6;
	s7 =	simm.s32 @p2 $0x1082  }
0x22: {  	[simem:s7], [sflag:s8] =	dma.local @!p0 [hbm:s6], $0xF7A  }
0x23: {  	s9 =	sor.u32 $0xD0000000, s2;
	s6 =	simm.s32 $0x108;
	_ =	swait.ge @!p0 [sflag:s8], $0x0  }
0x24: {  	s3 =	sadd.s32 $0x88, s3;
	s6 =	simm.s32 @!p1 $0x1082;
	[sflag:s4] =	ssyncset.s32 $0xFFFFF086  }
0x25: {  	[simem:s6], [sflag:s4] =	dma.local [hbm:s3], $0xF7A  }
0x26: {  	[smem:$0x3F8A] =	sst s1;
	(tag) =	ssettag s2;
	_ =	strace s9  }
0x27: {  	s1 =	sld [smem:$0x3F9A]  }
0x28: {  	s2 =	sld [smem:$0x3F9B]  }
0x29: {  	s4 =	sld [smem:$0x3F9D]  }
0x2a: {  	p0 =	seq.s32 s5, $0x0;
	s5 =	sld [smem:$0x3F9E]  }
0x2b: {  	s6 =	sld [smem:$0x3F9F]  }
0x2c: {  	s7 =	sld [smem:$0x3FA0]  }
0x2d: {  	s3 =	simm.s32 $0x108;
	s8 =	sld [smem:$0x3FA1]  }
0x2e: {  	s3 =	simm.s32 @!p0 $0x1082;
	s9 =	sld [smem:$0x3FA2]  }
0x2f: {  	lr =	sadd.s32 s0, s3;
	s0 =	sld [smem:$0x3F99]  }
0x30: {  	s3 =	sld [smem:$0x3F9C]  }
0x31: {  	[smem:$0x3FA5] =	sst s10  }
0x32: {  	s10 =	sld [smem:$0x3FA3];
	_ =	sdelay $0x3  }
0x33: {  	p0 =	seq.s32 s10, $0x1;
	s10 =	sld [smem:$0x3FA5];
	_ =	sdelay $0x3  }
0x34: {  	[smem:$0x3FA5] =	sst s10  }
0x35: {  	s10 =	sld [smem:$0x3FA4];
	_ =	sdelay $0x3  }
0x36: {  	p1 =	seq.s32 s10, $0x1;
	s10 =	sld [smem:$0x3FA5];
	_ =	sdelay $0x3  }
0x37: {  	[smem:$0x3FA5] =	sst s10  }
0x38: {  	s10 =	sld [smem:$0x3FA6]  }
0x39: {  	_ = 	snop;
	(pc) =	sbr.ind lr, $3  }
0x3a: {  	_ = 	snop  }
0x3b: {  	_ = 	snop  }
0x3c: {  	p2 =	seq.s32 s10, $0x1;
	s10 =	sld [smem:$0x3FA5]  }
0x3d: {  	_ =	shalt  }
0x3e: {  	_ =	shalt  }
0x3f: {  	_ =	shalt  }
0x40: {  	_ =	shalt  }
0x41: {  	_ =	shalt  }
0x42: {  	_ =	shalt  }
0x43: {  	_ =	shalt  }
0x44: {  	_ =	shalt  }
0x45: {  	_ =	shalt  }
0x46: {  	_ =	shalt  }
0x47: {  	_ =	shalt  }
0x48: {  	_ =	shalt  }
0x49: {  	_ =	shalt  }
0x4a: {  	_ =	shalt  }
0x4b: {  	_ =	shalt  }
0x4c: {  	_ =	shalt  }
0x4d: {  	_ =	shalt  }
0x4e: {  	_ =	shalt  }
0x4f: {  	_ =	shalt  }
0x50: {  	_ =	shalt  }
0x51: {  	_ =	shalt  }
0x52: {  	_ =	shalt  }
0x53: {  	_ =	shalt  }
0x54: {  	_ =	shalt  }
0x55: {  	_ =	shalt  }
0x56: {  	_ =	shalt  }
0x57: {  	_ =	shalt  }
0x58: {  	_ =	shalt  }
0x59: {  	_ =	shalt  }
0x5a: {  	_ =	shalt  }
0x5b: {  	_ =	shalt  }
0x5c: {  	_ =	shalt  }
0x5d: {  	_ =	shalt  }
0x5e: {  	_ =	shalt  }
0x5f: {  	_ =	shalt  }
0x60: {  	_ =	shalt  }
0x61: {  	_ =	shalt  }
0x62: {  	_ =	shalt  }
0x63: {  	_ =	shalt  }
0x64: {  	_ =	shalt  }
0x65: {  	_ =	shalt  }
0x66: {  	_ =	shalt  }
0x67: {  	_ =	shalt  }
0x68: {  	_ =	shalt  }
0x69: {  	_ =	shalt  }
0x6a: {  	_ =	shalt  }
0x6b: {  	_ =	shalt  }
0x6c: {  	_ =	shalt  }
0x6d: {  	_ =	shalt  }
0x6e: {  	_ =	shalt  }
0x6f: {  	_ =	shalt  }
0x70: {  	_ =	shalt  }
0x71: {  	_ =	shalt  }
0x72: {  	_ =	shalt  }
0x73: {  	_ =	shalt  }
0x74: {  	_ =	shalt  }
0x75: {  	_ =	shalt  }
0x76: {  	_ =	shalt  }
0x77: {  	_ =	shalt  }
0x78: {  	_ =	shalt  }
0x79: {  	_ =	shalt  }
0x7a: {  	_ =	shalt  }
0x7b: {  	_ =	shalt  }
0x7c: {  	_ =	shalt  }
0x7d: {  	_ =	shalt  }
0x7e: {  	_ =	shalt  }
0x7f: {  	_ =	shalt  }
0x80: {  	_ =	shalt  }
0x81: {  	_ =	shalt  }
0x82: {  	_ =	shalt  }
0x83: {  	_ =	shalt  }
0x84: {  	_ =	shalt  }
0x85: {  	_ =	shalt  }
0x86: {  	_ =	shalt  }
0x87: {  	_ =	shalt  }
.Lfunc_end0:
.L_simem_size_0:
called_computation.2_lowered:
.L_overlay_start_0:
0x88: {  	s2 =	sld [smem:$0x3FD9]  }
0x89: {  	s3 =	sld [smem:$0x3FFE];
	_ =	sdelay $0x1  }
0x8a: {  	s1 =	srdreg.scid  }
0x8b: {  	s0 =	sand.u32 $0x1, s1  }
0x8c: {  	s17 =	sshll.u32 s0, $0xA;
	s2 =	sadd.s32 s3, s2  }
0x8d: {  	s2 =	sadd.s32 s2, s17  }
0x8e: {  	[smem:$0x3FB1] =	sst s2  }
0x8f: {  	_ = 	snop  }
0x90: {  	s18 =	sld [smem:$0x3FC6];
	(tm) =	ssettm $0x1  }
0x91: {  	s19 =	sld [smem:$0x3FFB];
	_ =	sdelay $0x3  }
0x92: {  	_ =	strace s19  }
0x93: {  	s2 =	sld [smem:$0x3FFC];
	_ =	sdelay $0x3  }
0x94: {  	_ =	strace s2  }
0x95: {  	s2 =	sld [smem:$0x3FFD];
	_ =	sdelay $0x3  }
0x96: {  	_ =	strace s2  }
0x97: {  	_ =	strace $0x8FFFFFFF  }
0x98: {  	s20 =	sld [smem:$0x3FDB];
	_ =	sdelay $0x1  }
0x99: {  	s4 =	simm.s32 $_scs_section_size  }
0x9a: {  	s5 =	simm.s32 $_size__tile_overlayer_lowered;
	s6 =	simm.s32 $_tile_overlayer_lowered  }
0x9b: {  	s7 =	simm.s32 $0x1BFF;
	s21 =	sshll.u32 s6, $0x1;
	s4 =	sadd.s32 s4, s20  }
0x9c: {  	s22 =	simm.s32 $0x0;
	s5 =	sshll.u32 s5, $0x1;
	s6 =	sadd.s32 s21, s4  }
0x9d: {  	[timem:s22], [sflag:s7] =	dma.local [hbm:s6], s5  }
0x9e: {  	_ =	swait.ge [sflag:s7], s5  }
0x9f: {  	s5 =	ssub.s32 $0x0, s5;
	[sflag:s7] =	ssyncset.done $0x0  }
0xa0: {  	[sflag:s7] =	ssyncadd.s32 s5;
	_ =	sdelay $0x1  }
0xa1: {  	s23 =	simm.s32 $0x1B8B  }
0xa2: {  	_ =	swait.ge [sflag:s23], $0x1  }
0xa3: {  	[sflag:s23] =	ssyncset.done $0x0  }
0xa4: {  	[sflag:s23] =	ssyncadd.s32 $0xFFFFFFFF  }
0xa5: {  	s5 =	sld [smem:$0x0]  }
0xa6: {  	s6 =	sand.u32 $0xFFFFFFFE, s1  }
0xa7: {  	p0 =	sne.s32 s1, s6  }
0xa8: {  	s6 =	sshll.u32 @p0 s6, $0xE  }
0xa9: {  	s6 =	sadd.s32 @p0 $0x11B8D, s6;
	s7 =	sshll.u32 @p0 s5, $0x11  }
0xaa: {  	s6 =	sor.u32 @p0 s7, s6  }
0xab: {  	[sflag:s6] =	ssyncadd.remote.s32 @p0 $0x1;
	_ =	sdelay $0x1  }
0xac: {  	s6 =	simm.s32 @p0 $0x1B8D  }
0xad: {  	_ =	swait.eq @p0 [sflag:s6], $0x1  }
0xae: {  	[sflag:s6] =	ssyncadd.s32 @p0 $0xFFFFFFFF  }
0xaf: {  	s7 =	sshll.u32 @!p0 s1, $0xE  }
0xb0: {  	s7 =	sor.u32 @!p0 $0x4000, s7;
	s6 =	simm.s32 @!p0 $0x1B8D  }
0xb1: {  	s5 =	sshll.u32 @!p0 s5, $0x11;
	s7 =	sadd.s32 @!p0 $0x11B8D, s7;
	_ =	swait.eq @!p0 [sflag:s6], $0x1  }
0xb2: {  	s5 =	sor.u32 @!p0 s5, s7;
	[sflag:s6] =	ssyncadd.s32 @!p0 $0xFFFFFFFF  }
0xb3: {  	s25 =	simm.s32 $0x1B8E;
	s24 =	sld [smem:$0x3FFE];
	[sflag:s5] =	ssyncadd.remote.s32 @!p0 $0x1  }
0xb4: {  	s26 =	simm.s32 $execute0_lowered;
	[smem:$0x3FD2] =	sst s25  }
0xb5: {  	s6 =	sshll.u32 s26, $0x1;
	_ =	strace $0x8000004C;
	[dreg:$0x1] =	wrdreg $0xFFFFFFFF  }
0xb6: {  	s28 =	simm.s32 $_size_execute0_lowered;
	s4 =	sadd.s32 s4, s6;
	[dreg:$0x0] =	wrdreg $0x0  }
0xb7: {  	s6 =	sshll.u32 s28, $0x1;
	[dreg:$0x2] =	wrdreg s4  }
0xb8: {  	[dreg:$0x3] =	wrdreg s6  }
0xb9: {  	[dreg:$0x4] =	wrdreg $0xC0  }
0xba: {  	_ =	task [dreg:s22], $0x5FFFF  }
0xbb: {  	[dreg:$0x1] =	wrdreg $0xFFFFFFFF  }
0xbc: {  	[dreg:$0x0] =	wrdreg $0x60  }
0xbd: {  	[dreg:$0x2] =	wrdreg s18  }
0xbe: {  	[dreg:$0x3] =	wrdreg s24  }
0xbf: {  	[dreg:$0x4] =	wrdreg $0xA  }
0xc0: {  	_ =	task.clear_ibuf [dreg:s22], $0x5FFFF;
	_ =	strace $0x9000004C  }
0xc1: {  	s29 =	simm.s32 $0xA;
	_ =	strace $0x8000004E  }
0xc2: {  	_ =	swait.ge [sflag:s29], $0x1  }
0xc3: {  	[sflag:s29] =	ssyncadd.s32 $0xFFFFFFFF  }
0xc4: {  	_ =	strace $0x9000004E  }
0xc5: {  	_ =	sfence  }
0xc6: {  	s30 =	sld [smem:$0x0];
	_ =	sdelay $0x2  }
0xc7: {  	s31 =	sshll.u32 s1, $0xD;
	s1 =	sshrl.u32 s1, $0x2  }
0xc8: {  	s4 =	sand.u32 $0x4000, s31;
	s1 =	sadd.s32 s1, s30  }
0xc9: {  	s0 =	sor.u32 s4, s0;
	s1 =	sshll.u32 s1, $0x11  }
0xca: {  	s0 =	sor.u32 s1, s0  }
0xcb: {  	s0 =	sadd.s32 $0x8F2B, s0  }
0xcc: {  	[sflag:s0] =	ssyncadd.remote.s32 $0x1  }
0xcd: {  	_ =	sfence.sel $0xFFFF  }
0xce: {  	[dreg:$0x0] =	wrdreg $0xFFFFFFFF;
	(pc) =	sbr.abs _section_cstart, $3  }
0xcf: {  	[dreg:$0x1] =	wrdreg $0xFFFFFFFF  }
0xd0: {  	_ =	task.clear_ibuf [dreg:s22], $0x2FFFF;
	_ =	strace $0x9FFFFFFF  }
0xd1: {  	(tm) =	ssettm $0x7FFFFFFF  }
tec
execute0_lowered:
.L_overlay_start_1:
0x0: {  	(tag) =	ssettag $0x1  }
0x1: {  	s2 =	rddreg [dreg:$0x0]  }
0x2: {  	s8 =	rddreg [dreg:$0x1]  }
0x3: {  	s0 =	rddreg [dreg:$0x2];
	s1 =	stileid.u32  }
0x4: {  	s3 =	srdreg.scid;
	_ =	strace $0x8000004D;
	s4 =	simm.s32 $0x1  }
0x5: {  	s7 =	simm.s32 $0x1;
	s9 =	simm.s32 $0x1;
	s10 =	simm.s32 $0x3  }
0x6: {  	s13 =	simm.s32 $0x0;
	s5 =	sand.u32 $0x1, s3;
	s6 =	sshll.u32 s1, $0x1  }
0x7: {  	s12 =	simm.s32 $0x0;
	s3 =	sadd.s32 $0x2C400, s8;
	s5 =	sor.u32 s6, s5  }
.Ltmp0:
0x8: {  	[sflag:s4] =	ssyncpa.u1 $0x0;
	p0 =	slt.u32 s5, $0x9;
	(pc) =	sbr.rel .LBB2_1-.Ltmp0, $4  }
0x9: {  	s6 =	simm.s32 $0x2;
	s7 =	simm.s32 @!p0 $0x0;
	p0 =	sne.s32 s5, $0x8  }
0xa: {  	[sflag:s6] =	ssyncpa.u1 $0x0;
	s5 =	smul.u32 $0x1F40, s5;
	s9 =	simm.s32 @!p0 $0x0  }
0xb: {  	s8 =	sadd.s32 $0x82600, s8;
	[sflag:s10] =	ssyncpa.u1 $0x0;
	s7 =	sadd.s32 s9, s7  }
0xc: {  	vm0 =	vmmov $0xffff;
	s10 =	simm.s32 $0x0;
	s11 =	smov.u32 s5;
	s9 =	sadd.s32 $0x1, s7  }
.LBB2_4:
0xd: {  	v2 =	vnsel vm1, $0x0, v2  }
0xe: {  	vm1 =	vgt.s32 v0, $0x0;
	v2 =	vmin.u32 v2, $0x4E1FF  }
0xf: {  	v0 =	vnsel vm1, $0x0, v0  }
0x10: {  	v0 =	vmin.u32 v0, $0x4E1FF  }
0x11: {  	[tilespmem:s18], [sflag:$0x1] =	stream.indirect_vreg.gather [hbm4b:s2+s10], $0x1, v1, vm0, $0x4038;
	[tilespmem:$0x7D00] =	vst v63  }
0x12: {  	(ifvalue) =	ssetifvalue $0x7FFFFFFF  }
0x13: {  	[tilespmem:s15], [sflag:$0x1] =	stream.indirect_vreg.gather [hbm4b:s2+s10], $0x1, v2, vm0, $0x4038;
	[tilespmem:$0x7D00] =	vst v63  }
0x14: {  	s29 =	sadd.s32 $0x10, s15;
	(ifvalue) =	ssetifvalue $0x7FFFFFFF  }
0x15: {  	[tilespmem:s29], [sflag:$0x1] =	stream.indirect_vreg.gather [hbm4b:s2+s10], $0x1, v0, vm0, $0x4038;
	[tilespmem:$0x7D00] =	vst v63  }
0x16: {  	_ =	swait.ge [sflag:s4], $0x1F40  }
0x17: {  	s30 =	sshrl.u32 s13, $0x3;
	[sflag:s4] =	ssyncset.done $0x0  }
0x18: {  	s31 =	sand.u32 $0x7, s13;
	s15 =	sadd.s32 s8, s30;
	[sflag:s4] =	ssyncadd.s32 $0xFFFFE0C0  }
0x19: {  	[hbm4b:s15+s31] =	stream.linear.scatter [tilespmem:s14], [sflag:$0x3], $0x1F40, $0x38;
	[tilespmem:$0x7D00] =	vst v63  }
.LBB2_5:
0x1a: {  	s15 =	sadd.s32 $0x3E800, s11  }
0x1b: {  	p1 =	sgt.s32 s15, $0x4E1FF  }
0x1c: {  	s15 =	smov.u32 @p1 s5;
	p1 =	sne.s32 s12, s9  }
.Ltmp1:
0x1d: {  	p0 =	slt.u32 s12, $0x2;
	(pc) =	sbr.rel @!p1 .LBB2_6-.Ltmp1, $4  }
0x1e: {  	s14 =	simm.s32 @!p0 $0x3  }
0x1f: {  	_ =	swait.ge @!p0 [sflag:s14], $0x1F40  }
0x20: {  	s16 =	sadd.s32 $0x1, s12;
	s13 =	smov.u32 s11;
	[sflag:s14] =	ssyncset.done @!p0 $0x0  }
0x21: {  	s12 =	smov.u32 s16;
	s11 =	smov.u32 s15;
	[sflag:s14] =	ssyncadd.s32 @!p0 $0xFFFFE0C0  }
.LBB2_1:
0x22: {  	p0 =	sge.u32 s12, s7  }
0x23: {  	s14 =	sxor.u32 @!p0 $0x1, s12  }
0x24: {  	s14 =	smul.u32 @!p0 $0x7D00, s14  }
0x25: {  	s31 =	sadd.s32 $0xFFFFFFFF, s12;
	s15 =	sshrl.u32 @!p0 s11, $0x3  }
0x26: {  	s16 =	sand.u32 @!p0 $0x7, s11;
	s15 =	sadd.s32 @!p0 s3, s15;
	s14 =	sshra.s32 @!p0 s14, $0x2  }
0x27: {  	[tilespmem:s14], [sflag:$0x2] =	stream.linear.gather @!p0 [hbm4b:s15+s16], $0x1F40, $0x38;
	[tilespmem:$0x7D00] =	vst v63  }
0x28: {  	p0 =	sge.u32 s31, s7  }
.Ltmp2:
0x29: {  	_ = 	snop;
	(pc) =	sbr.rel @p0 .LBB2_5-.Ltmp2, $1  }
0x2a: {  	_ =	sdelay $0x3  }
0x2b: {  	s14 =	sand.u32 $0x1, s12  }
0x2c: {  	_ =	swait.ge [sflag:s6], $0x1F40;
	p0 =	seq.s32 s14, $0x1;
	s14 =	simm.s32 $0x1F40  }
0x2d: {  	[sflag:s6] =	ssyncset.done $0x0;
	s14 =	simm.s32 @!p0 $0x0  }
0x2e: {  	[sflag:s6] =	ssyncadd.s32 $0xFFFFE0C0;
	(ifvalue) =	ssetifvalue $0x7FFFFFFF;
	v0 =	vld.msk [tilespmem:s14+$0x0 ss:$0x1], $0xffff;
	_ =	sdelay $0x4  }
0x2f: {  	s15 =	sadd.s32 $0x10, s14;
	vm1 =	vgt.s32 v0, $0x0  }
0x30: {  	v2 =	vld.msk [tilespmem:s15+$0x0 ss:$0x1], $0xffff;
	v1 =	vnsel vm1, $0x0, v0  }
0x31: {  	v1 =	vmin.u32 v1, $0x4E1FF;
	_ =	sdelay $0x2  }
0x32: {  	s17 =	simm.s32 $0x20;
	s14 =	sadd.s32 $0x3E80, s14;
	s16 =	sadd.s32 $0x10, s15  }
0x33: {  	s15 =	sadd.s32 $0x10, s14;
	s18 =	smov.u32 s14;
	v0 =	vld.msk [tilespmem:s16+$0x0 ss:$0x1], $0xffff;
	vm1 =	vgt.s32 v2, $0x0;
	(ifvalue) =	ssetifvalue $0x7FFFFFFF  }
.LBB2_3:
0x34: {  	[tilespmem:s18], [sflag:$0x1] =	stream.indirect_vreg.gather [hbm4b:s2+s10], $0x1, v1, vm0, $0x4038;
	[tilespmem:$0x7D00] =	vst v63  }
0x35: {  	s17 =	sadd.s32 $0x10, s17  }
0x36: {  	v2 =	vnsel vm1, $0x0, v2;
	p0 =	slt.u32 s17, $0x1F30  }
.Ltmp3:
0x37: {  	s18 =	smov.u32 s15;
	v1 =	vmin.u32 v2, $0x4E1FF;
	(pc) =	sbr.rel @p0 .LBB2_3-.Ltmp3, $3  }
0x38: {  	_ =	sdelay $0x1  }
0x39: {  	s16 =	sadd.s32 $0x10, s16  }
0x3a: {  	vm1 =	vgt.s32 v0, $0x0;
	s15 =	sadd.s32 $0x10, s15;
	v2 =	vmov v0;
	(ifvalue) =	ssetifvalue $0x7FFFFFFF;
	v0 =	vld.msk [tilespmem:s16+$0x0 ss:$0x1], $0xffff  }
.Ltmp4:
0x3b: {  	_ = 	snop;
	(pc) =	sbr.rel .LBB2_4-.Ltmp4, $1  }
0x3c: {  	_ =	sdelay $0x3  }
.LBB2_6:
0x3d: {  	_ =	sfence.sel $0x180000  }
0x3e: {  	s2 =	simm.s32 $0x2;
	[bflag:$0x0] =	sbarrier.arrive $0xFFFF  }
0x3f: {  	s30 =	simm.s32 $0x3;
	[sflag:s2] =	ssyncpa.u1 $0x1  }
0x40: {  	s31 =	simm.s32 $0x1;
	[sflag:s30] =	ssyncpa.u1 $0x1  }
0x41: {  	[sflag:s31] =	ssyncpa.u1 $0x1  }
0x42: {  	p0 =	sne.s32 s1, $0x0;
	_ =	strace $0x9000004D  }
0x43: {  	s0 =	sadd.s32 @!p0 $0x100000, s0;
	[bflag:$0x2] =	sbarrier.arrive $0xFFFF  }
0x44: {  	[sflag:s0] =	ssyncadd.tile.s32 @!p0 $0x1;
	_ =	shalt  }
.Lfunc_end2:
_tile_overlayer_lowered:
.L_overlay_start_2:
0x45: {  	(tag) =	ssettag $0x2  }
0x46: {  	s0 =	rddreg [dreg:$0x0];
	s2 =	stileid.u32  }
0x47: {  	s1 =	rddreg [dreg:$0x1];
	p0 =	sne.s32 s2, $0x0  }
0x48: {  	s3 =	rddreg [dreg:$0x2];
	[bflag:$0x3] =	sbarrier.arrive $0xFFFF;
	s2 =	simm.s32 @!p0 $0x1C01  }
0x49: {  	[timem:s3], [sflag:s2] =	dma.local @!p0 [hbm:s0], s1  }
0x4a: {  	s0 =	simm.s32 @!p0 $0x1  }
0x4b: {  	_ =	swait.ge @!p0 [sflag:s0], s1  }
0x4c: {  	s1 =	ssub.s32 @!p0 $0x0, s1;
	[sflag:s0] =	ssyncset.done @!p0 $0x0  }
0x4d: {  	[sflag:s0] =	ssyncadd.s32 @!p0 s1  }
0x4e: {  	[bflag:$0x3] =	sbarrier.arrive $0xFFFF  }
0x4f: {  	_ =	shalt  }

// kernel: gather_offload_async_start
scs
__scs_entry_jumppad:
0x0: {  	(pc) =	sbr.rel $0x88, $3  }
0x1: {  	(tag) =	ssettag $0x0;
	lr =	simm.s32 $0x1  }
0x2: {  	[smem:$0x3F8A] =	sst lr;
	_ =	strace $0xD0000000  }
0x3: {  	_ = 	snop  }
0x4: {  	_ = 	snop  }
0x5: {  	_ = 	snop  }
0x6: {  	_ = 	snop  }
0x7: {  	_ = 	snop  }
__scs_overlays_trampoline_lowered:
0x8: {  	[smem:$0x3F99] =	sst s0  }
0x9: {  	[smem:$0x3F9A] =	sst s1  }
0xa: {  	[smem:$0x3F9B] =	sst s2  }
0xb: {  	[smem:$0x3F9C] =	sst s3  }
0xc: {  	[smem:$0x3F9D] =	sst s4  }
0xd: {  	[smem:$0x3F9E] =	sst s5  }
0xe: {  	[smem:$0x3F9F] =	sst s6  }
0xf: {  	[smem:$0x3FA0] =	sst s7  }
0x10: {  	[smem:$0x3FA1] =	sst s8  }
0x11: {  	[smem:$0x3FA2] =	sst s9;
	s0 =	simm.s32 @!p0 $0x0  }
0x12: {  	s1 =	sld [smem:$0x3F88];
	s0 =	simm.s32 @p0 $0x1  }
0x13: {  	[smem:$0x3FA3] =	sst s0;
	s0 =	simm.s32 @!p1 $0x0  }
0x14: {  	s2 =	sld [smem:$0x3F87];
	s0 =	simm.s32 @p1 $0x1  }
0x15: {  	[smem:$0x3FA4] =	sst s0;
	s0 =	simm.s32 @!p2 $0x0  }
0x16: {  	s3 =	sld [smem:$0x3FDB];
	s0 =	simm.s32 @p2 $0x1  }
0x17: {  	s4 =	simm.s32 $0x1BF5;
	[smem:$0x3FA6] =	sst s0  }
0x18: {  	s0 =	sld [smem:$0x3F89];
	_ =	swait.ge [sflag:s4], $0x0  }
0x19: {  	s7 =	sld [smem:$0x3F8A]  }
0x1a: {  	s8 =	sadd.s32 $0xFFFFE003, lr  }
0x1b: {  	s9 =	sadd.s32 $0xFFFFFEF7, lr;
	s5 =	simm.s32 $0xFFFFFFFF;
	p2 =	slt.u32 s8, $0xFFFFF086  }
0x1c: {  	p1 =	slt.u32 s9, $0xF7A;
	s5 =	simm.s32 @!p2 $0x0  }
0x1d: {  	s5 =	simm.s32 @p1 $0x1;
	p0 =	seq.s32 s7, s2  }
0x1e: {  	s7 =	smul.u32 @!p0 $0xF7A, s2;
	p2 =	seq.s32 @!p0 s5, $0x0  }
0x1f: {  	s9 =	smul.u32 $0xF7A, s1;
	s8 =	simm.s32 @!p0 $0x1BF5;
	p2 =	por !p2, p0  }
0x20: {  	[sflag:s8] =	ssyncset.s32 @!p0 $0xFFFFF086;
	s6 =	sadd.s32 @!p0 s3, s7;
	s7 =	simm.s32 @!p0 $0x108  }
0x21: {  	s3 =	sadd.s32 s3, s9;
	s6 =	sadd.s32 @!p0 $0x88, s6;
	s7 =	simm.s32 @p2 $0x1082  }
0x22: {  	[simem:s7], [sflag:s8] =	dma.local @!p0 [hbm:s6], $0xF7A  }
0x23: {  	s9 =	sor.u32 $0xD0000000, s2;
	s6 =	simm.s32 $0x108;
	_ =	swait.ge @!p0 [sflag:s8], $0x0  }
0x24: {  	s3 =	sadd.s32 $0x88, s3;
	s6 =	simm.s32 @!p1 $0x1082;
	[sflag:s4] =	ssyncset.s32 $0xFFFFF086  }
0x25: {  	[simem:s6], [sflag:s4] =	dma.local [hbm:s3], $0xF7A  }
0x26: {  	[smem:$0x3F8A] =	sst s1;
	(tag) =	ssettag s2;
	_ =	strace s9  }
0x27: {  	s1 =	sld [smem:$0x3F9A]  }
0x28: {  	s2 =	sld [smem:$0x3F9B]  }
0x29: {  	s4 =	sld [smem:$0x3F9D]  }
0x2a: {  	p0 =	seq.s32 s5, $0x0;
	s5 =	sld [smem:$0x3F9E]  }
0x2b: {  	s6 =	sld [smem:$0x3F9F]  }
0x2c: {  	s7 =	sld [smem:$0x3FA0]  }
0x2d: {  	s3 =	simm.s32 $0x108;
	s8 =	sld [smem:$0x3FA1]  }
0x2e: {  	s3 =	simm.s32 @!p0 $0x1082;
	s9 =	sld [smem:$0x3FA2]  }
0x2f: {  	lr =	sadd.s32 s0, s3;
	s0 =	sld [smem:$0x3F99]  }
0x30: {  	s3 =	sld [smem:$0x3F9C]  }
0x31: {  	[smem:$0x3FA5] =	sst s10  }
0x32: {  	s10 =	sld [smem:$0x3FA3];
	_ =	sdelay $0x3  }
0x33: {  	p0 =	seq.s32 s10, $0x1;
	s10 =	sld [smem:$0x3FA5];
	_ =	sdelay $0x3  }
0x34: {  	[smem:$0x3FA5] =	sst s10  }
0x35: {  	s10 =	sld [smem:$0x3FA4];
	_ =	sdelay $0x3  }
0x36: {  	p1 =	seq.s32 s10, $0x1;
	s10 =	sld [smem:$0x3FA5];
	_ =	sdelay $0x3  }
0x37: {  	[smem:$0x3FA5] =	sst s10  }
0x38: {  	s10 =	sld [smem:$0x3FA6]  }
0x39: {  	_ = 	snop;
	(pc) =	sbr.ind lr, $3  }
0x3a: {  	_ = 	snop  }
0x3b: {  	_ = 	snop  }
0x3c: {  	p2 =	seq.s32 s10, $0x1;
	s10 =	sld [smem:$0x3FA5]  }
0x3d: {  	_ =	shalt  }
0x3e: {  	_ =	shalt  }
0x3f: {  	_ =	shalt  }
0x40: {  	_ =	shalt  }
0x41: {  	_ =	shalt  }
0x42: {  	_ =	shalt  }
0x43: {  	_ =	shalt  }
0x44: {  	_ =	shalt  }
0x45: {  	_ =	shalt  }
0x46: {  	_ =	shalt  }
0x47: {  	_ =	shalt  }
0x48: {  	_ =	shalt  }
0x49: {  	_ =	shalt  }
0x4a: {  	_ =	shalt  }
0x4b: {  	_ =	shalt  }
0x4c: {  	_ =	shalt  }
0x4d: {  	_ =	shalt  }
0x4e: {  	_ =	shalt  }
0x4f: {  	_ =	shalt  }
0x50: {  	_ =	shalt  }
0x51: {  	_ =	shalt  }
0x52: {  	_ =	shalt  }
0x53: {  	_ =	shalt  }
0x54: {  	_ =	shalt  }
0x55: {  	_ =	shalt  }
0x56: {  	_ =	shalt  }
0x57: {  	_ =	shalt  }
0x58: {  	_ =	shalt  }
0x59: {  	_ =	shalt  }
0x5a: {  	_ =	shalt  }
0x5b: {  	_ =	shalt  }
0x5c: {  	_ =	shalt  }
0x5d: {  	_ =	shalt  }
0x5e: {  	_ =	shalt  }
0x5f: {  	_ =	shalt  }
0x60: {  	_ =	shalt  }
0x61: {  	_ =	shalt  }
0x62: {  	_ =	shalt  }
0x63: {  	_ =	shalt  }
0x64: {  	_ =	shalt  }
0x65: {  	_ =	shalt  }
0x66: {  	_ =	shalt  }
0x67: {  	_ =	shalt  }
0x68: {  	_ =	shalt  }
0x69: {  	_ =	shalt  }
0x6a: {  	_ =	shalt  }
0x6b: {  	_ =	shalt  }
0x6c: {  	_ =	shalt  }
0x6d: {  	_ =	shalt  }
0x6e: {  	_ =	shalt  }
0x6f: {  	_ =	shalt  }
0x70: {  	_ =	shalt  }
0x71: {  	_ =	shalt  }
0x72: {  	_ =	shalt  }
0x73: {  	_ =	shalt  }
0x74: {  	_ =	shalt  }
0x75: {  	_ =	shalt  }
0x76: {  	_ =	shalt  }
0x77: {  	_ =	shalt  }
0x78: {  	_ =	shalt  }
0x79: {  	_ =	shalt  }
0x7a: {  	_ =	shalt  }
0x7b: {  	_ =	shalt  }
0x7c: {  	_ =	shalt  }
0x7d: {  	_ =	shalt  }
0x7e: {  	_ =	shalt  }
0x7f: {  	_ =	shalt  }
0x80: {  	_ =	shalt  }
0x81: {  	_ =	shalt  }
0x82: {  	_ =	shalt  }
0x83: {  	_ =	shalt  }
0x84: {  	_ =	shalt  }
0x85: {  	_ =	shalt  }
0x86: {  	_ =	shalt  }
0x87: {  	_ =	shalt  }
.Lfunc_end0:
.L_simem_size_0:
called_computation_lowered:
.L_overlay_start_0:
0x88: {  	s2 =	sld [smem:$0x3FD9]  }
0x89: {  	s3 =	sld [smem:$0x3FFE];
	_ =	sdelay $0x1  }
0x8a: {  	s1 =	srdreg.scid  }
0x8b: {  	s0 =	sand.u32 $0x1, s1  }
0x8c: {  	s16 =	sshll.u32 s0, $0xA;
	s2 =	sadd.s32 s3, s2  }
0x8d: {  	s2 =	sadd.s32 s2, s16  }
0x8e: {  	[smem:$0x3FB1] =	sst s2  }
0x8f: {  	_ = 	snop  }
0x90: {  	(tm) =	ssettm $0x1  }
0x91: {  	s17 =	sld [smem:$0x3FFB];
	_ =	sdelay $0x3  }
0x92: {  	_ =	strace s17  }
0x93: {  	s2 =	sld [smem:$0x3FFC];
	_ =	sdelay $0x3  }
0x94: {  	_ =	strace s2  }
0x95: {  	s2 =	sld [smem:$0x3FFD];
	_ =	sdelay $0x3  }
0x96: {  	_ =	strace s2  }
0x97: {  	_ =	strace $0x8FFFFFFF  }
0x98: {  	s18 =	sld [smem:$0x3FDB];
	_ =	sdelay $0x1  }
0x99: {  	s19 =	simm.s32 $_scs_section_size  }
0x9a: {  	s4 =	simm.s32 $_size__tile_overlayer_lowered;
	s5 =	simm.s32 $_tile_overlayer_lowered  }
0x9b: {  	s22 =	simm.s32 $0x1BFF;
	s21 =	sshll.u32 s5, $0x1;
	s2 =	sadd.s32 s19, s18  }
0x9c: {  	s6 =	simm.s32 $0x0;
	s20 =	sshll.u32 s4, $0x1;
	s4 =	sadd.s32 s21, s2  }
0x9d: {  	[timem:s6], [sflag:s22] =	dma.local [hbm:s4], s20  }
0x9e: {  	_ =	swait.ge [sflag:s22], s20  }
0x9f: {  	s3 =	ssub.s32 $0x0, s20;
	[sflag:s22] =	ssyncset.done $0x0  }
0xa0: {  	[sflag:s22] =	ssyncadd.s32 s3;
	_ =	sdelay $0x1  }
0xa1: {  	s23 =	simm.s32 $0x1B8B  }
0xa2: {  	_ =	swait.ge [sflag:s23], $0x1  }
0xa3: {  	[sflag:s23] =	ssyncset.done $0x0  }
0xa4: {  	s25 =	simm.s32 $0x1B8E;
	s24 =	sld [smem:$0x3FFE];
	[sflag:s23] =	ssyncadd.s32 $0xFFFFFFFF  }
0xa5: {  	s26 =	simm.s32 $execute0_lowered;
	[smem:$0x3FD2] =	sst s25  }
0xa6: {  	s4 =	sshll.u32 s26, $0x1;
	_ =	strace $0x80000046;
	[dreg:$0x1] =	wrdreg $0xFFFFFFFF  }
0xa7: {  	s28 =	simm.s32 $_size_execute0_lowered;
	s2 =	sadd.s32 s2, s4;
	[dreg:$0x0] =	wrdreg $0x0  }
0xa8: {  	s4 =	sshll.u32 s28, $0x1;
	[dreg:$0x2] =	wrdreg s2  }
0xa9: {  	[dreg:$0x3] =	wrdreg s4  }
0xaa: {  	[dreg:$0x4] =	wrdreg $0xC0  }
0xab: {  	_ =	task [dreg:s6], $0x5FFFF  }
0xac: {  	[dreg:$0x1] =	wrdreg $0xFFFFFFFF  }
0xad: {  	[dreg:$0x0] =	wrdreg $0x60  }
0xae: {  	[dreg:$0x2] =	wrdreg s24  }
0xaf: {  	[dreg:$0x3] =	wrdreg $0x9  }
0xb0: {  	_ =	task.clear_ibuf [dreg:s6], $0x4FFFF;
	_ =	strace $0x90000046  }
0xb1: {  	s29 =	simm.s32 $0x9;
	_ =	strace $0x80000048  }
0xb2: {  	_ =	swait.ge [sflag:s29], $0x1  }
0xb3: {  	[sflag:s29] =	ssyncadd.s32 $0xFFFFFFFF  }
0xb4: {  	_ =	strace $0x90000048  }
0xb5: {  	_ =	sfence  }
0xb6: {  	s30 =	sld [smem:$0x0];
	_ =	sdelay $0x2  }
0xb7: {  	s31 =	sshll.u32 s1, $0xD;
	s1 =	sshrl.u32 s1, $0x2  }
0xb8: {  	s3 =	sand.u32 $0x4000, s31;
	s1 =	sadd.s32 s1, s30  }
0xb9: {  	s0 =	sor.u32 s3, s0;
	s1 =	sshll.u32 s1, $0x11  }
0xba: {  	s0 =	sor.u32 s1, s0  }
0xbb: {  	s0 =	sadd.s32 $0x8F2B, s0  }
0xbc: {  	[sflag:s0] =	ssyncadd.remote.s32 $0x1  }
0xbd: {  	_ =	sfence.sel $0xFFFF  }
0xbe: {  	[dreg:$0x0] =	wrdreg $0xFFFFFFFF;
	(pc) =	sbr.abs _section_cstart, $3  }
0xbf: {  	[dreg:$0x1] =	wrdreg $0xFFFFFFFF  }
0xc0: {  	_ =	task.clear_ibuf [dreg:s6], $0x2FFFF;
	_ =	strace $0x9FFFFFFF  }
0xc1: {  	(tm) =	ssettm $0x7FFFFFFF  }
tec
execute0_lowered:
.L_overlay_start_1:
0x0: {  	(tag) =	ssettag $0x1  }
0x1: {  	s8 =	rddreg [dreg:$0x0]  }
0x2: {  	s0 =	rddreg [dreg:$0x1];
	_ =	strace $0x80000047;
	s1 =	stileid.u32  }
0x3: {  	s3 =	srdreg.scid;
	s4 =	simm.s32 $0x1;
	s7 =	simm.s32 $0x1  }
0x4: {  	s9 =	simm.s32 $0x1;
	s10 =	simm.s32 $0x3;
	s13 =	simm.s32 $0x0  }
0x5: {  	s12 =	simm.s32 $0x0;
	s5 =	sand.u32 $0x1, s3;
	s6 =	sshll.u32 s1, $0x1  }
0x6: {  	s2 =	sadd.s32 $0x22600, s8;
	s3 =	sadd.s32 $0x2C400, s8;
	s5 =	sor.u32 s6, s5  }
.Ltmp0:
0x7: {  	[sflag:s4] =	ssyncpa.u1 $0x0;
	p0 =	slt.u32 s5, $0x9;
	(pc) =	sbr.rel .LBB2_1-.Ltmp0, $4  }
0x8: {  	s6 =	simm.s32 $0x2;
	s7 =	simm.s32 @!p0 $0x0;
	p0 =	sne.s32 s5, $0x8  }
0x9: {  	[sflag:s6] =	ssyncpa.u1 $0x0;
	s5 =	smul.u32 $0x1F40, s5;
	s9 =	simm.s32 @!p0 $0x0  }
0xa: {  	s8 =	sadd.s32 $0x82600, s8;
	[sflag:s10] =	ssyncpa.u1 $0x0;
	s7 =	sadd.s32 s9, s7  }
0xb: {  	vm0 =	vmmov $0xffff;
	s10 =	simm.s32 $0x0;
	s11 =	smov.u32 s5;
	s9 =	sadd.s32 $0x1, s7  }
.LBB2_4:
0xc: {  	v2 =	vnsel vm1, $0x0, v2  }
0xd: {  	vm1 =	vgt.s32 v0, $0x0;
	v2 =	vmin.u32 v2, $0x4E1FF  }
0xe: {  	v0 =	vnsel vm1, $0x0, v0  }
0xf: {  	v0 =	vmin.u32 v0, $0x4E1FF  }
0x10: {  	[tilespmem:s18], [sflag:$0x1] =	stream.indirect_vreg.gather [hbm4b:s2+s10], $0x1, v1, vm0, $0x4038;
	[tilespmem:$0x7D00] =	vst v63  }
0x11: {  	(ifvalue) =	ssetifvalue $0x7FFFFFFF  }
0x12: {  	[tilespmem:s15], [sflag:$0x1] =	stream.indirect_vreg.gather [hbm4b:s2+s10], $0x1, v2, vm0, $0x4038;
	[tilespmem:$0x7D00] =	vst v63  }
0x13: {  	s29 =	sadd.s32 $0x10, s15;
	(ifvalue) =	ssetifvalue $0x7FFFFFFF  }
0x14: {  	[tilespmem:s29], [sflag:$0x1] =	stream.indirect_vreg.gather [hbm4b:s2+s10], $0x1, v0, vm0, $0x4038;
	[tilespmem:$0x7D00] =	vst v63  }
0x15: {  	_ =	swait.ge [sflag:s4], $0x1F40  }
0x16: {  	s30 =	sshrl.u32 s13, $0x3;
	[sflag:s4] =	ssyncset.done $0x0  }
0x17: {  	s31 =	sand.u32 $0x7, s13;
	s15 =	sadd.s32 s8, s30;
	[sflag:s4] =	ssyncadd.s32 $0xFFFFE0C0  }
0x18: {  	[hbm4b:s15+s31] =	stream.linear.scatter [tilespmem:s14], [sflag:$0x3], $0x1F40, $0x38;
	[tilespmem:$0x7D00] =	vst v63  }
.LBB2_5:
0x19: {  	s15 =	sadd.s32 $0x3E800, s11  }
0x1a: {  	p1 =	sgt.s32 s15, $0x4E1FF  }
0x1b: {  	s15 =	smov.u32 @p1 s5;
	p1 =	sne.s32 s12, s9  }
.Ltmp1:
0x1c: {  	p0 =	slt.u32 s12, $0x2;
	(pc) =	sbr.rel @!p1 .LBB2_6-.Ltmp1, $4  }
0x1d: {  	s14 =	simm.s32 @!p0 $0x3  }
0x1e: {  	_ =	swait.ge @!p0 [sflag:s14], $0x1F40  }
0x1f: {  	s16 =	sadd.s32 $0x1, s12;
	s13 =	smov.u32 s11;
	[sflag:s14] =	ssyncset.done @!p0 $0x0  }
0x20: {  	s12 =	smov.u32 s16;
	s11 =	smov.u32 s15;
	[sflag:s14] =	ssyncadd.s32 @!p0 $0xFFFFE0C0  }
.LBB2_1:
0x21: {  	p0 =	sge.u32 s12, s7  }
0x22: {  	s14 =	sxor.u32 @!p0 $0x1, s12  }
0x23: {  	s14 =	smul.u32 @!p0 $0x7D00, s14  }
0x24: {  	s31 =	sadd.s32 $0xFFFFFFFF, s12;
	s15 =	sshrl.u32 @!p0 s11, $0x3  }
0x25: {  	s16 =	sand.u32 @!p0 $0x7, s11;
	s15 =	sadd.s32 @!p0 s3, s15;
	s14 =	sshra.s32 @!p0 s14, $0x2  }
0x26: {  	[tilespmem:s14], [sflag:$0x2] =	stream.linear.gather @!p0 [hbm4b:s15+s16], $0x1F40, $0x38;
	[tilespmem:$0x7D00] =	vst v63  }
0x27: {  	p0 =	sge.u32 s31, s7  }
.Ltmp2:
0x28: {  	_ = 	snop;
	(pc) =	sbr.rel @p0 .LBB2_5-.Ltmp2, $1  }
0x29: {  	_ =	sdelay $0x3  }
0x2a: {  	s14 =	sand.u32 $0x1, s12  }
0x2b: {  	_ =	swait.ge [sflag:s6], $0x1F40;
	p0 =	seq.s32 s14, $0x1;
	s14 =	simm.s32 $0x1F40  }
0x2c: {  	[sflag:s6] =	ssyncset.done $0x0;
	s14 =	simm.s32 @!p0 $0x0  }
0x2d: {  	[sflag:s6] =	ssyncadd.s32 $0xFFFFE0C0;
	(ifvalue) =	ssetifvalue $0x7FFFFFFF;
	v0 =	vld.msk [tilespmem:s14+$0x0 ss:$0x1], $0xffff;
	_ =	sdelay $0x4  }
0x2e: {  	s15 =	sadd.s32 $0x10, s14;
	vm1 =	vgt.s32 v0, $0x0  }
0x2f: {  	v2 =	vld.msk [tilespmem:s15+$0x0 ss:$0x1], $0xffff;
	v1 =	vnsel vm1, $0x0, v0  }
0x30: {  	v1 =	vmin.u32 v1, $0x4E1FF;
	_ =	sdelay $0x2  }
0x31: {  	s17 =	simm.s32 $0x20;
	s14 =	sadd.s32 $0x3E80, s14;
	s16 =	sadd.s32 $0x10, s15  }
0x32: {  	s15 =	sadd.s32 $0x10, s14;
	s18 =	smov.u32 s14;
	v0 =	vld.msk [tilespmem:s16+$0x0 ss:$0x1], $0xffff;
	vm1 =	vgt.s32 v2, $0x0;
	(ifvalue) =	ssetifvalue $0x7FFFFFFF  }
.LBB2_3:
0x33: {  	[tilespmem:s18], [sflag:$0x1] =	stream.indirect_vreg.gather [hbm4b:s2+s10], $0x1, v1, vm0, $0x4038;
	[tilespmem:$0x7D00] =	vst v63  }
0x34: {  	s17 =	sadd.s32 $0x10, s17  }
0x35: {  	v2 =	vnsel vm1, $0x0, v2;
	p0 =	slt.u32 s17, $0x1F30  }
.Ltmp3:
0x36: {  	s18 =	smov.u32 s15;
	v1 =	vmin.u32 v2, $0x4E1FF;
	(pc) =	sbr.rel @p0 .LBB2_3-.Ltmp3, $3  }
0x37: {  	_ =	sdelay $0x1  }
0x38: {  	s16 =	sadd.s32 $0x10, s16  }
0x39: {  	vm1 =	vgt.s32 v0, $0x0;
	s15 =	sadd.s32 $0x10, s15;
	v2 =	vmov v0;
	(ifvalue) =	ssetifvalue $0x7FFFFFFF;
	v0 =	vld.msk [tilespmem:s16+$0x0 ss:$0x1], $0xffff  }
.Ltmp4:
0x3a: {  	_ = 	snop;
	(pc) =	sbr.rel .LBB2_4-.Ltmp4, $1  }
0x3b: {  	_ =	sdelay $0x3  }
.LBB2_6:
0x3c: {  	_ =	sfence.sel $0x180000  }
0x3d: {  	s2 =	simm.s32 $0x2;
	[bflag:$0x0] =	sbarrier.arrive $0xFFFF  }
0x3e: {  	s30 =	simm.s32 $0x3;
	[sflag:s2] =	ssyncpa.u1 $0x1  }
0x3f: {  	s31 =	simm.s32 $0x1;
	[sflag:s30] =	ssyncpa.u1 $0x1  }
0x40: {  	[sflag:s31] =	ssyncpa.u1 $0x1  }
0x41: {  	p0 =	sne.s32 s1, $0x0;
	_ =	strace $0x90000047  }
0x42: {  	s0 =	sadd.s32 @!p0 $0x100000, s0;
	[bflag:$0x2] =	sbarrier.arrive $0xFFFF  }
0x43: {  	[sflag:s0] =	ssyncadd.tile.s32 @!p0 $0x1;
	_ =	shalt  }
.Lfunc_end2:
_tile_overlayer_lowered:
.L_overlay_start_2:
0x44: {  	(tag) =	ssettag $0x2  }
0x45: {  	s0 =	rddreg [dreg:$0x0];
	s2 =	stileid.u32  }
0x46: {  	s1 =	rddreg [dreg:$0x1];
	p0 =	sne.s32 s2, $0x0  }
0x47: {  	s3 =	rddreg [dreg:$0x2];
	[bflag:$0x3] =	sbarrier.arrive $0xFFFF;
	s2 =	simm.s32 @!p0 $0x1C01  }
0x48: {  	[timem:s3], [sflag:s2] =	dma.local @!p0 [hbm:s0], s1  }
0x49: {  	s0 =	simm.s32 @!p0 $0x1  }
0x4a: {  	_ =	swait.ge @!p0 [sflag:s0], s1  }
0x4b: {  	s1 =	ssub.s32 @!p0 $0x0, s1;
	[sflag:s0] =	ssyncset.done @!p0 $0x0  }
0x4c: {  	[sflag:s0] =	ssyncadd.s32 @!p0 s1  }
0x4d: {  	[bflag:$0x3] =	sbarrier.arrive $0xFFFF  }
0x4e: {  	_ =	shalt  }

</sc_bundles>
